<compile_context>
chip_gen: v7x
topology: tpu7x:2x2x1
jax: 0.10.2.dev20260603
libtpu: 0.0.44.dev20260713+nightly
codegen_flags: <defaults>
</compile_context>

<pallas_src>
import functools

import jax
import jax.numpy as jnp
from jax import lax
from jax.experimental import pallas as pl
from jax.experimental.pallas import tpu as pltpu
from jax.experimental.pallas import tpu_sc as plsc

BATCH = 16384
EMB = 64
L = 16
NC = 2
NS = 16
NW = NC * NS
BPW = BATCH // NW
CH = 128
NCH = BPW // CH

_mesh = plsc.VectorSubcoreMesh(core_axis_name="c", subcore_axis_name="s")


@functools.partial(
    pl.kernel,
    mesh=_mesh,
    out_type=jax.ShapeDtypeStruct((BATCH,), jnp.float32),
    compiler_params=pltpu.CompilerParams(use_tc_tiling_on_sc=False),
    scratch_types=[
        pltpu.VMEM((NCH, CH), jnp.int32),
        pltpu.VMEM((NCH, CH), jnp.int32),
        pltpu.VMEM((BPW, EMB), jnp.float32),
        pltpu.VMEM((BPW, EMB), jnp.float32),
        pltpu.VMEM((BPW,), jnp.float32),
        pltpu.VMEM((BPW,), jnp.float32),
        pltpu.VMEM((BPW,), jnp.float32),
        pltpu.SemaphoreType.DMA,
    ],
)
def _mf_sc(user_hbm, item_hbm, ub_hbm, ib_hbm, ue_hbm, ie_hbm, out_hbm,
           uidx, iidx, uev, iev, ubv, ibv, outv, sem):
    wid = lax.axis_index("s") * NC + lax.axis_index("c")
    base = wid * BPW
    cbase = wid * NCH

    pltpu.sync_copy(user_hbm.at[pl.ds(cbase, NCH)], uidx)
    pltpu.sync_copy(item_hbm.at[pl.ds(cbase, NCH)], iidx)

    copies = []
    for j in range(NCH):
        d = pl.ds(j * CH, CH)
        copies.append(pltpu.async_copy(ue_hbm.at[uidx.at[j]], uev.at[d], sem))
        copies.append(pltpu.async_copy(ie_hbm.at[iidx.at[j]], iev.at[d], sem))
        copies.append(pltpu.async_copy(ub_hbm.at[uidx.at[j]], ubv.at[d], sem))
        copies.append(pltpu.async_copy(ib_hbm.at[iidx.at[j]], ibv.at[d], sem))
    for c in copies:
        c.wait()

    ii = lax.iota(jnp.int32, L)
    _dnums = lax.GatherDimensionNumbers(
        offset_dims=(), collapsed_slice_dims=(0,), start_index_map=(0,))

    def lane_perm(x, idx):
        return lax.gather(x, idx[:, None], _dnums, (1,),
                          mode=lax.GatherScatterMode.PROMISE_IN_BOUNDS)

    def lane_sum(x):
        for k in (1, 2, 4, 8):
            x = x + lane_perm(x, ii ^ k)
        return x

    def group(g, carry):
        r0 = g * L
        acc = ubv[pl.ds(r0, L)] + ibv[pl.ds(r0, L)]
        for r in range(L):
            q = None
            for cidx in range(EMB // L):
                u = uev[r0 + r, pl.ds(cidx * L, L)]
                v = iev[r0 + r, pl.ds(cidx * L, L)]
                q = u * v if q is None else q + u * v
            s = lane_sum(q)
            acc = jnp.where(ii == r, acc + s, acc)
        outv[pl.ds(r0, L)] = acc
        return carry

    lax.fori_loop(0, BPW // L, group, 0)

    pltpu.sync_copy(outv, out_hbm.at[pl.ds(base, BPW)])


def kernel(user, item, user_biases, item_biases, user_emb, item_emb):
    user2 = user.astype(jnp.int32).reshape(NW * NCH, CH)
    item2 = item.astype(jnp.int32).reshape(NW * NCH, CH)
    ub = user_biases.reshape(-1)
    ib = item_biases.reshape(-1)
    return _mf_sc(user2, item2, ub, ib, user_emb, item_emb)

# --- scband reference (transcript-rebuilt; emitter-appended) ---
"""Pipeline reference for scband-mfbiased-2147483648348 (READ-ONLY COPY).

The authoritative reference and input builder live on the scoring server;
editing this copy changes nothing except your own understanding.
"""

import jax, jax.numpy as jnp
import numpy as np

NUM_USERS = 1000000
NUM_ITEMS = 1000000
EMB_SIZE = 64
BATCH = 16384


def setup_inputs(seed: int = 0) -> dict:
    key = jax.random.key(seed)
    k_user, k_item, k_ub, k_ib, k_ue, k_ie = jax.random.split(key, 6)
    user = jax.random.randint(k_user, (BATCH,), 0, NUM_USERS, dtype=jnp.int64 if jax.config.jax_enable_x64 else jnp.int32)
    item = jax.random.randint(k_item, (BATCH,), 0, NUM_ITEMS, dtype=jnp.int64 if jax.config.jax_enable_x64 else jnp.int32)
    # xavier_normal for Embedding(n, d): std = sqrt(2 / (n + d))
    ub_std = float(np.sqrt(2.0 / (NUM_USERS + 1)))
    ib_std = float(np.sqrt(2.0 / (NUM_ITEMS + 1)))
    ue_std = float(np.sqrt(2.0 / (NUM_USERS + EMB_SIZE)))
    ie_std = float(np.sqrt(2.0 / (NUM_ITEMS + EMB_SIZE)))
    user_biases = jax.random.normal(k_ub, (NUM_USERS, 1), dtype=jnp.float32) * ub_std
    item_biases = jax.random.normal(k_ib, (NUM_ITEMS, 1), dtype=jnp.float32) * ib_std
    user_emb = jax.random.normal(k_ue, (NUM_USERS, EMB_SIZE), dtype=jnp.float32) * ue_std
    item_emb = jax.random.normal(k_ie, (NUM_ITEMS, EMB_SIZE), dtype=jnp.float32) * ie_std
    return {
        "user": user,
        "item": item,
        "user_biases": user_biases,
        "item_biases": item_biases,
        "user_emb": user_emb,
        "item_emb": item_emb,
    }


def reference(user, item, user_biases, item_biases, user_emb, item_emb):
    # pred = user_biases(user) + item_biases(item)
    pred = jnp.take(user_biases, user, axis=0) + jnp.take(item_biases, item, axis=0)
    # pred += (user_emb(user) * item_emb(item)).sum(dim=1, keepdim=True)
    ue = jnp.take(user_emb, user, axis=0)
    ie = jnp.take(item_emb, item, axis=0)
    pred = pred + jnp.sum(ue * ie, axis=1, keepdims=True)
    return jnp.squeeze(pred)

if __name__ == "__main__":
    import jax
    _d = setup_inputs()
    print(jax.jit(kernel)(*tuple(_d.values())))

</pallas_src>

<mosaic_0001>
#map = affine_map<(d0, d1) -> (0, 0)>
#map1 = affine_map<(d0, d1) -> (0)>
module attributes {stable_mosaic.version = 14 : i64} {
  func.func @_mf_sc(%arg0: i32, %arg1: i32, %arg2: memref<128x128xi32, #tpu.memory_space<hbm>>, %arg3: memref<128x128xi32, #tpu.memory_space<hbm>>, %arg4: memref<1000000xf32, #tpu.memory_space<hbm>>, %arg5: memref<1000000xf32, #tpu.memory_space<hbm>>, %arg6: memref<1000000x64xf32, #tpu.memory_space<hbm>>, %arg7: memref<1000000x64xf32, #tpu.memory_space<hbm>>, %arg8: memref<16384xf32, #tpu.memory_space<hbm>>, %arg9: memref<4x128xi32, #tpu.memory_space<vmem>>, %arg10: memref<4x128xi32, #tpu.memory_space<vmem>>, %arg11: memref<512x64xf32, #tpu.memory_space<vmem>>, %arg12: memref<512x64xf32, #tpu.memory_space<vmem>>, %arg13: memref<512xf32, #tpu.memory_space<vmem>>, %arg14: memref<512xf32, #tpu.memory_space<vmem>>, %arg15: memref<512xf32, #tpu.memory_space<vmem>>, %arg16: memref<!tpu.dma_semaphore, #tpu.memory_space<semaphore_mem>>) attributes {dimension_semantics = [#tpu.dimension_semantics<core_parallel>, #tpu.dimension_semantics<subcore_parallel>], iteration_bounds = array<i64: 2, 16>, scalar_prefetch = 0 : i64, scratch_operands = 8 : i64, tpu.core_type = #tpu.core_type<sc_vector_subcore>, window_params = [{transform_indices = #map}, {transform_indices = #map}, {transform_indices = #map1}, {transform_indices = #map1}, {transform_indices = #map}, {transform_indices = #map}, {transform_indices = #map1}]} {
    %mul3A = arith.constant 2 : i32
    %mul3A_0 = arith.muli %arg1, %mul3A : i32
    %add3A = arith.addi %mul3A_0, %arg0 : i32
    %mul3A_1 = arith.constant 512 : i32
    %mul3A_2 = arith.muli %add3A, %mul3A_1 : i32
    %mul3A_3 = arith.constant 4 : i32
    %mul3A_4 = arith.muli %add3A, %mul3A_3 : i32
    "tpu.region"() ({
      %run_scoped3A = tpu.sem_alloc : memref<!tpu.dma_semaphore, #tpu.memory_space<semaphore_mem>>
      %dma_start3A_296 = arith.constant 0 : i32
      %dma_start3A_297 = tpu.memref_slice %arg2[%mul3A_4, %dma_start3A_296] : memref<128x128xi32, #tpu.memory_space<hbm>> -> memref<4x128xi32, #tpu.memory_space<hbm>>
      %dma_start3A_298 = arith.constant 0 : i32
      %dma_start3A_299 = tpu.memref_slice %arg2[%mul3A_4, %dma_start3A_298] : memref<128x128xi32, #tpu.memory_space<hbm>> -> memref<4x128xi32, #tpu.memory_space<hbm>>
      tpu.enqueue_dma source(%dma_start3A_299 : memref<4x128xi32, #tpu.memory_space<hbm>>) target(%arg9 : memref<4x128xi32, #tpu.memory_space<vmem>>) target_semaphore(%run_scoped3A : memref<!tpu.dma_semaphore, #tpu.memory_space<semaphore_mem>>)
      %dma_wait3A_300 = arith.constant 0 : i32
      %dma_wait3A_301 = tpu.memref_slice %arg2[%mul3A_4, %dma_wait3A_300] : memref<128x128xi32, #tpu.memory_space<hbm>> -> memref<4x128xi32, #tpu.memory_space<hbm>>
      %dma_wait3A_302 = arith.constant 0 : i32
      %dma_wait3A_303 = tpu.memref_slice %arg2[%mul3A_4, %dma_wait3A_302] : memref<128x128xi32, #tpu.memory_space<hbm>> -> memref<4x128xi32, #tpu.memory_space<hbm>>
      tpu.wait_dma2 semaphore(%run_scoped3A : memref<!tpu.dma_semaphore, #tpu.memory_space<semaphore_mem>>) src(%dma_wait3A_303 : memref<4x128xi32, #tpu.memory_space<hbm>>) dst(%arg9 : memref<4x128xi32, #tpu.memory_space<vmem>>)
      tpu.yield
    }) : () -> ()
    "tpu.region"() ({
      %run_scoped3A = tpu.sem_alloc : memref<!tpu.dma_semaphore, #tpu.memory_space<semaphore_mem>>
      %dma_start3A_296 = arith.constant 0 : i32
      %dma_start3A_297 = tpu.memref_slice %arg3[%mul3A_4, %dma_start3A_296] : memref<128x128xi32, #tpu.memory_space<hbm>> -> memref<4x128xi32, #tpu.memory_space<hbm>>
      %dma_start3A_298 = arith.constant 0 : i32
      %dma_start3A_299 = tpu.memref_slice %arg3[%mul3A_4, %dma_start3A_298] : memref<128x128xi32, #tpu.memory_space<hbm>> -> memref<4x128xi32, #tpu.memory_space<hbm>>
      tpu.enqueue_dma source(%dma_start3A_299 : memref<4x128xi32, #tpu.memory_space<hbm>>) target(%arg10 : memref<4x128xi32, #tpu.memory_space<vmem>>) target_semaphore(%run_scoped3A : memref<!tpu.dma_semaphore, #tpu.memory_space<semaphore_mem>>)
      %dma_wait3A_300 = arith.constant 0 : i32
      %dma_wait3A_301 = tpu.memref_slice %arg3[%mul3A_4, %dma_wait3A_300] : memref<128x128xi32, #tpu.memory_space<hbm>> -> memref<4x128xi32, #tpu.memory_space<hbm>>
      %dma_wait3A_302 = arith.constant 0 : i32
      %dma_wait3A_303 = tpu.memref_slice %arg3[%mul3A_4, %dma_wait3A_302] : memref<128x128xi32, #tpu.memory_space<hbm>> -> memref<4x128xi32, #tpu.memory_space<hbm>>
      tpu.wait_dma2 semaphore(%run_scoped3A : memref<!tpu.dma_semaphore, #tpu.memory_space<semaphore_mem>>) src(%dma_wait3A_303 : memref<4x128xi32, #tpu.memory_space<hbm>>) dst(%arg10 : memref<4x128xi32, #tpu.memory_space<vmem>>)
      tpu.yield
    }) : () -> ()
    %dma_start3A = arith.constant 0 : i32
    %dma_start3A_5 = arith.constant 0 : i32
    %dma_start3A_6 = arith.constant 0 : i32
    %dma_start3A_7 = tpu.memref_slice %arg11[%dma_start3A_5, %dma_start3A_6] : memref<512x64xf32, #tpu.memory_space<vmem>> -> memref<128x64xf32, #tpu.memory_space<vmem>>
    %dma_start3A_8 = arith.constant 0 : i32
    %dma_start3A_9 = tpu.memref_slice %arg9[%dma_start3A, %dma_start3A_8] : memref<4x128xi32, #tpu.memory_space<vmem>> -> memref<1x128xi32, #tpu.memory_space<vmem>>
    %dma_start3A_10 = tpu.memref_squeeze %dma_start3A_9 : memref<1x128xi32, #tpu.memory_space<vmem>> -> memref<128xi32, #tpu.memory_space<vmem>>
    %dma_start3A_11 = arith.constant 0 : i32
    %dma_start3A_12 = arith.constant 0 : i32
    %dma_start3A_13 = tpu.memref_slice %arg6[%dma_start3A_11, %dma_start3A_12] : memref<1000000x64xf32, #tpu.memory_space<hbm>> -> memref<1000000x64xf32, #tpu.memory_space<hbm>>
    tpu.enqueue_indirect_dma source(%dma_start3A_13 : memref<1000000x64xf32, #tpu.memory_space<hbm>>) target(%dma_start3A_7 : memref<128x64xf32, #tpu.memory_space<vmem>>) offsets(%dma_start3A_10 : memref<128xi32, #tpu.memory_space<vmem>>) semaphore(%arg16 : memref<!tpu.dma_semaphore, #tpu.memory_space<semaphore_mem>>)
    %dma_start3A_14 = arith.constant 0 : i32
    %dma_start3A_15 = arith.constant 0 : i32
    %dma_start3A_16 = arith.constant 0 : i32
    %dma_start3A_17 = tpu.memref_slice %arg12[%dma_start3A_15, %dma_start3A_16] : memref<512x64xf32, #tpu.memory_space<vmem>> -> memref<128x64xf32, #tpu.memory_space<vmem>>
    %dma_start3A_18 = arith.constant 0 : i32
    %dma_start3A_19 = tpu.memref_slice %arg10[%dma_start3A_14, %dma_start3A_18] : memref<4x128xi32, #tpu.memory_space<vmem>> -> memref<1x128xi32, #tpu.memory_space<vmem>>
    %dma_start3A_20 = tpu.memref_squeeze %dma_start3A_19 : memref<1x128xi32, #tpu.memory_space<vmem>> -> memref<128xi32, #tpu.memory_space<vmem>>
    %dma_start3A_21 = arith.constant 0 : i32
    %dma_start3A_22 = arith.constant 0 : i32
    %dma_start3A_23 = tpu.memref_slice %arg7[%dma_start3A_21, %dma_start3A_22] : memref<1000000x64xf32, #tpu.memory_space<hbm>> -> memref<1000000x64xf32, #tpu.memory_space<hbm>>
    tpu.enqueue_indirect_dma source(%dma_start3A_23 : memref<1000000x64xf32, #tpu.memory_space<hbm>>) target(%dma_start3A_17 : memref<128x64xf32, #tpu.memory_space<vmem>>) offsets(%dma_start3A_20 : memref<128xi32, #tpu.memory_space<vmem>>) semaphore(%arg16 : memref<!tpu.dma_semaphore, #tpu.memory_space<semaphore_mem>>)
    %dma_start3A_24 = arith.constant 0 : i32
    %dma_start3A_25 = arith.constant 0 : i32
    %dma_start3A_26 = tpu.memref_slice %arg13[%dma_start3A_25] : memref<512xf32, #tpu.memory_space<vmem>> -> memref<128xf32, #tpu.memory_space<vmem>>
    %dma_start3A_27 = arith.constant 0 : i32
    %dma_start3A_28 = tpu.memref_slice %arg9[%dma_start3A_24, %dma_start3A_27] : memref<4x128xi32, #tpu.memory_space<vmem>> -> memref<1x128xi32, #tpu.memory_space<vmem>>
    %dma_start3A_29 = tpu.memref_squeeze %dma_start3A_28 : memref<1x128xi32, #tpu.memory_space<vmem>> -> memref<128xi32, #tpu.memory_space<vmem>>
    %dma_start3A_30 = arith.constant 0 : i32
    %dma_start3A_31 = tpu.memref_slice %arg4[%dma_start3A_30] : memref<1000000xf32, #tpu.memory_space<hbm>> -> memref<1000000xf32, #tpu.memory_space<hbm>>
    tpu.enqueue_indirect_dma source(%dma_start3A_31 : memref<1000000xf32, #tpu.memory_space<hbm>>) target(%dma_start3A_26 : memref<128xf32, #tpu.memory_space<vmem>>) offsets(%dma_start3A_29 : memref<128xi32, #tpu.memory_space<vmem>>) semaphore(%arg16 : memref<!tpu.dma_semaphore, #tpu.memory_space<semaphore_mem>>)
    %dma_start3A_32 = arith.constant 0 : i32
    %dma_start3A_33 = arith.constant 0 : i32
    %dma_start3A_34 = tpu.memref_slice %arg14[%dma_start3A_33] : memref<512xf32, #tpu.memory_space<vmem>> -> memref<128xf32, #tpu.memory_space<vmem>>
    %dma_start3A_35 = arith.constant 0 : i32
    %dma_start3A_36 = tpu.memref_slice %arg10[%dma_start3A_32, %dma_start3A_35] : memref<4x128xi32, #tpu.memory_space<vmem>> -> memref<1x128xi32, #tpu.memory_space<vmem>>
    %dma_start3A_37 = tpu.memref_squeeze %dma_start3A_36 : memref<1x128xi32, #tpu.memory_space<vmem>> -> memref<128xi32, #tpu.memory_space<vmem>>
    %dma_start3A_38 = arith.constant 0 : i32
    %dma_start3A_39 = tpu.memref_slice %arg5[%dma_start3A_38] : memref<1000000xf32, #tpu.memory_space<hbm>> -> memref<1000000xf32, #tpu.memory_space<hbm>>
    tpu.enqueue_indirect_dma source(%dma_start3A_39 : memref<1000000xf32, #tpu.memory_space<hbm>>) target(%dma_start3A_34 : memref<128xf32, #tpu.memory_space<vmem>>) offsets(%dma_start3A_37 : memref<128xi32, #tpu.memory_space<vmem>>) semaphore(%arg16 : memref<!tpu.dma_semaphore, #tpu.memory_space<semaphore_mem>>)
    %dma_start3A_40 = arith.constant 1 : i32
    %dma_start3A_41 = arith.constant 128 : i32
    %dma_start3A_42 = arith.constant 0 : i32
    %dma_start3A_43 = tpu.memref_slice %arg11[%dma_start3A_41, %dma_start3A_42] : memref<512x64xf32, #tpu.memory_space<vmem>> -> memref<128x64xf32, #tpu.memory_space<vmem>>
    %dma_start3A_44 = arith.constant 0 : i32
    %dma_start3A_45 = tpu.memref_slice %arg9[%dma_start3A_40, %dma_start3A_44] : memref<4x128xi32, #tpu.memory_space<vmem>> -> memref<1x128xi32, #tpu.memory_space<vmem>>
    %dma_start3A_46 = tpu.memref_squeeze %dma_start3A_45 : memref<1x128xi32, #tpu.memory_space<vmem>> -> memref<128xi32, #tpu.memory_space<vmem>>
    %dma_start3A_47 = arith.constant 0 : i32
    %dma_start3A_48 = arith.constant 0 : i32
    %dma_start3A_49 = tpu.memref_slice %arg6[%dma_start3A_47, %dma_start3A_48] : memref<1000000x64xf32, #tpu.memory_space<hbm>> -> memref<1000000x64xf32, #tpu.memory_space<hbm>>
    tpu.enqueue_indirect_dma source(%dma_start3A_49 : memref<1000000x64xf32, #tpu.memory_space<hbm>>) target(%dma_start3A_43 : memref<128x64xf32, #tpu.memory_space<vmem>>) offsets(%dma_start3A_46 : memref<128xi32, #tpu.memory_space<vmem>>) semaphore(%arg16 : memref<!tpu.dma_semaphore, #tpu.memory_space<semaphore_mem>>)
    %dma_start3A_50 = arith.constant 1 : i32
    %dma_start3A_51 = arith.constant 128 : i32
    %dma_start3A_52 = arith.constant 0 : i32
    %dma_start3A_53 = tpu.memref_slice %arg12[%dma_start3A_51, %dma_start3A_52] : memref<512x64xf32, #tpu.memory_space<vmem>> -> memref<128x64xf32, #tpu.memory_space<vmem>>
    %dma_start3A_54 = arith.constant 0 : i32
    %dma_start3A_55 = tpu.memref_slice %arg10[%dma_start3A_50, %dma_start3A_54] : memref<4x128xi32, #tpu.memory_space<vmem>> -> memref<1x128xi32, #tpu.memory_space<vmem>>
    %dma_start3A_56 = tpu.memref_squeeze %dma_start3A_55 : memref<1x128xi32, #tpu.memory_space<vmem>> -> memref<128xi32, #tpu.memory_space<vmem>>
    %dma_start3A_57 = arith.constant 0 : i32
    %dma_start3A_58 = arith.constant 0 : i32
    %dma_start3A_59 = tpu.memref_slice %arg7[%dma_start3A_57, %dma_start3A_58] : memref<1000000x64xf32, #tpu.memory_space<hbm>> -> memref<1000000x64xf32, #tpu.memory_space<hbm>>
    tpu.enqueue_indirect_dma source(%dma_start3A_59 : memref<1000000x64xf32, #tpu.memory_space<hbm>>) target(%dma_start3A_53 : memref<128x64xf32, #tpu.memory_space<vmem>>) offsets(%dma_start3A_56 : memref<128xi32, #tpu.memory_space<vmem>>) semaphore(%arg16 : memref<!tpu.dma_semaphore, #tpu.memory_space<semaphore_mem>>)
    %dma_start3A_60 = arith.constant 1 : i32
    %dma_start3A_61 = arith.constant 128 : i32
    %dma_start3A_62 = tpu.memref_slice %arg13[%dma_start3A_61] : memref<512xf32, #tpu.memory_space<vmem>> -> memref<128xf32, #tpu.memory_space<vmem>>
    %dma_start3A_63 = arith.constant 0 : i32
    %dma_start3A_64 = tpu.memref_slice %arg9[%dma_start3A_60, %dma_start3A_63] : memref<4x128xi32, #tpu.memory_space<vmem>> -> memref<1x128xi32, #tpu.memory_space<vmem>>
    %dma_start3A_65 = tpu.memref_squeeze %dma_start3A_64 : memref<1x128xi32, #tpu.memory_space<vmem>> -> memref<128xi32, #tpu.memory_space<vmem>>
    %dma_start3A_66 = arith.constant 0 : i32
    %dma_start3A_67 = tpu.memref_slice %arg4[%dma_start3A_66] : memref<1000000xf32, #tpu.memory_space<hbm>> -> memref<1000000xf32, #tpu.memory_space<hbm>>
    tpu.enqueue_indirect_dma source(%dma_start3A_67 : memref<1000000xf32, #tpu.memory_space<hbm>>) target(%dma_start3A_62 : memref<128xf32, #tpu.memory_space<vmem>>) offsets(%dma_start3A_65 : memref<128xi32, #tpu.memory_space<vmem>>) semaphore(%arg16 : memref<!tpu.dma_semaphore, #tpu.memory_space<semaphore_mem>>)
    %dma_start3A_68 = arith.constant 1 : i32
    %dma_start3A_69 = arith.constant 128 : i32
    %dma_start3A_70 = tpu.memref_slice %arg14[%dma_start3A_69] : memref<512xf32, #tpu.memory_space<vmem>> -> memref<128xf32, #tpu.memory_space<vmem>>
    %dma_start3A_71 = arith.constant 0 : i32
    %dma_start3A_72 = tpu.memref_slice %arg10[%dma_start3A_68, %dma_start3A_71] : memref<4x128xi32, #tpu.memory_space<vmem>> -> memref<1x128xi32, #tpu.memory_space<vmem>>
    %dma_start3A_73 = tpu.memref_squeeze %dma_start3A_72 : memref<1x128xi32, #tpu.memory_space<vmem>> -> memref<128xi32, #tpu.memory_space<vmem>>
    %dma_start3A_74 = arith.constant 0 : i32
    %dma_start3A_75 = tpu.memref_slice %arg5[%dma_start3A_74] : memref<1000000xf32, #tpu.memory_space<hbm>> -> memref<1000000xf32, #tpu.memory_space<hbm>>
    tpu.enqueue_indirect_dma source(%dma_start3A_75 : memref<1000000xf32, #tpu.memory_space<hbm>>) target(%dma_start3A_70 : memref<128xf32, #tpu.memory_space<vmem>>) offsets(%dma_start3A_73 : memref<128xi32, #tpu.memory_space<vmem>>) semaphore(%arg16 : memref<!tpu.dma_semaphore, #tpu.memory_space<semaphore_mem>>)
    %dma_start3A_76 = arith.constant 2 : i32
    %dma_start3A_77 = arith.constant 256 : i32
    %dma_start3A_78 = arith.constant 0 : i32
    %dma_start3A_79 = tpu.memref_slice %arg11[%dma_start3A_77, %dma_start3A_78] : memref<512x64xf32, #tpu.memory_space<vmem>> -> memref<128x64xf32, #tpu.memory_space<vmem>>
    %dma_start3A_80 = arith.constant 0 : i32
    %dma_start3A_81 = tpu.memref_slice %arg9[%dma_start3A_76, %dma_start3A_80] : memref<4x128xi32, #tpu.memory_space<vmem>> -> memref<1x128xi32, #tpu.memory_space<vmem>>
    %dma_start3A_82 = tpu.memref_squeeze %dma_start3A_81 : memref<1x128xi32, #tpu.memory_space<vmem>> -> memref<128xi32, #tpu.memory_space<vmem>>
    %dma_start3A_83 = arith.constant 0 : i32
    %dma_start3A_84 = arith.constant 0 : i32
    %dma_start3A_85 = tpu.memref_slice %arg6[%dma_start3A_83, %dma_start3A_84] : memref<1000000x64xf32, #tpu.memory_space<hbm>> -> memref<1000000x64xf32, #tpu.memory_space<hbm>>
    tpu.enqueue_indirect_dma source(%dma_start3A_85 : memref<1000000x64xf32, #tpu.memory_space<hbm>>) target(%dma_start3A_79 : memref<128x64xf32, #tpu.memory_space<vmem>>) offsets(%dma_start3A_82 : memref<128xi32, #tpu.memory_space<vmem>>) semaphore(%arg16 : memref<!tpu.dma_semaphore, #tpu.memory_space<semaphore_mem>>)
    %dma_start3A_86 = arith.constant 2 : i32
    %dma_start3A_87 = arith.constant 256 : i32
    %dma_start3A_88 = arith.constant 0 : i32
    %dma_start3A_89 = tpu.memref_slice %arg12[%dma_start3A_87, %dma_start3A_88] : memref<512x64xf32, #tpu.memory_space<vmem>> -> memref<128x64xf32, #tpu.memory_space<vmem>>
    %dma_start3A_90 = arith.constant 0 : i32
    %dma_start3A_91 = tpu.memref_slice %arg10[%dma_start3A_86, %dma_start3A_90] : memref<4x128xi32, #tpu.memory_space<vmem>> -> memref<1x128xi32, #tpu.memory_space<vmem>>
    %dma_start3A_92 = tpu.memref_squeeze %dma_start3A_91 : memref<1x128xi32, #tpu.memory_space<vmem>> -> memref<128xi32, #tpu.memory_space<vmem>>
    %dma_start3A_93 = arith.constant 0 : i32
    %dma_start3A_94 = arith.constant 0 : i32
    %dma_start3A_95 = tpu.memref_slice %arg7[%dma_start3A_93, %dma_start3A_94] : memref<1000000x64xf32, #tpu.memory_space<hbm>> -> memref<1000000x64xf32, #tpu.memory_space<hbm>>
    tpu.enqueue_indirect_dma source(%dma_start3A_95 : memref<1000000x64xf32, #tpu.memory_space<hbm>>) target(%dma_start3A_89 : memref<128x64xf32, #tpu.memory_space<vmem>>) offsets(%dma_start3A_92 : memref<128xi32, #tpu.memory_space<vmem>>) semaphore(%arg16 : memref<!tpu.dma_semaphore, #tpu.memory_space<semaphore_mem>>)
    %dma_start3A_96 = arith.constant 2 : i32
    %dma_start3A_97 = arith.constant 256 : i32
    %dma_start3A_98 = tpu.memref_slice %arg13[%dma_start3A_97] : memref<512xf32, #tpu.memory_space<vmem>> -> memref<128xf32, #tpu.memory_space<vmem>>
    %dma_start3A_99 = arith.constant 0 : i32
    %dma_start3A_100 = tpu.memref_slice %arg9[%dma_start3A_96, %dma_start3A_99] : memref<4x128xi32, #tpu.memory_space<vmem>> -> memref<1x128xi32, #tpu.memory_space<vmem>>
    %dma_start3A_101 = tpu.memref_squeeze %dma_start3A_100 : memref<1x128xi32, #tpu.memory_space<vmem>> -> memref<128xi32, #tpu.memory_space<vmem>>
    %dma_start3A_102 = arith.constant 0 : i32
    %dma_start3A_103 = tpu.memref_slice %arg4[%dma_start3A_102] : memref<1000000xf32, #tpu.memory_space<hbm>> -> memref<1000000xf32, #tpu.memory_space<hbm>>
    tpu.enqueue_indirect_dma source(%dma_start3A_103 : memref<1000000xf32, #tpu.memory_space<hbm>>) target(%dma_start3A_98 : memref<128xf32, #tpu.memory_space<vmem>>) offsets(%dma_start3A_101 : memref<128xi32, #tpu.memory_space<vmem>>) semaphore(%arg16 : memref<!tpu.dma_semaphore, #tpu.memory_space<semaphore_mem>>)
    %dma_start3A_104 = arith.constant 2 : i32
    %dma_start3A_105 = arith.constant 256 : i32
    %dma_start3A_106 = tpu.memref_slice %arg14[%dma_start3A_105] : memref<512xf32, #tpu.memory_space<vmem>> -> memref<128xf32, #tpu.memory_space<vmem>>
    %dma_start3A_107 = arith.constant 0 : i32
    %dma_start3A_108 = tpu.memref_slice %arg10[%dma_start3A_104, %dma_start3A_107] : memref<4x128xi32, #tpu.memory_space<vmem>> -> memref<1x128xi32, #tpu.memory_space<vmem>>
    %dma_start3A_109 = tpu.memref_squeeze %dma_start3A_108 : memref<1x128xi32, #tpu.memory_space<vmem>> -> memref<128xi32, #tpu.memory_space<vmem>>
    %dma_start3A_110 = arith.constant 0 : i32
    %dma_start3A_111 = tpu.memref_slice %arg5[%dma_start3A_110] : memref<1000000xf32, #tpu.memory_space<hbm>> -> memref<1000000xf32, #tpu.memory_space<hbm>>
    tpu.enqueue_indirect_dma source(%dma_start3A_111 : memref<1000000xf32, #tpu.memory_space<hbm>>) target(%dma_start3A_106 : memref<128xf32, #tpu.memory_space<vmem>>) offsets(%dma_start3A_109 : memref<128xi32, #tpu.memory_space<vmem>>) semaphore(%arg16 : memref<!tpu.dma_semaphore, #tpu.memory_space<semaphore_mem>>)
    %dma_start3A_112 = arith.constant 3 : i32
    %dma_start3A_113 = arith.constant 384 : i32
    %dma_start3A_114 = arith.constant 0 : i32
    %dma_start3A_115 = tpu.memref_slice %arg11[%dma_start3A_113, %dma_start3A_114] : memref<512x64xf32, #tpu.memory_space<vmem>> -> memref<128x64xf32, #tpu.memory_space<vmem>>
    %dma_start3A_116 = arith.constant 0 : i32
    %dma_start3A_117 = tpu.memref_slice %arg9[%dma_start3A_112, %dma_start3A_116] : memref<4x128xi32, #tpu.memory_space<vmem>> -> memref<1x128xi32, #tpu.memory_space<vmem>>
    %dma_start3A_118 = tpu.memref_squeeze %dma_start3A_117 : memref<1x128xi32, #tpu.memory_space<vmem>> -> memref<128xi32, #tpu.memory_space<vmem>>
    %dma_start3A_119 = arith.constant 0 : i32
    %dma_start3A_120 = arith.constant 0 : i32
    %dma_start3A_121 = tpu.memref_slice %arg6[%dma_start3A_119, %dma_start3A_120] : memref<1000000x64xf32, #tpu.memory_space<hbm>> -> memref<1000000x64xf32, #tpu.memory_space<hbm>>
    tpu.enqueue_indirect_dma source(%dma_start3A_121 : memref<1000000x64xf32, #tpu.memory_space<hbm>>) target(%dma_start3A_115 : memref<128x64xf32, #tpu.memory_space<vmem>>) offsets(%dma_start3A_118 : memref<128xi32, #tpu.memory_space<vmem>>) semaphore(%arg16 : memref<!tpu.dma_semaphore, #tpu.memory_space<semaphore_mem>>)
    %dma_start3A_122 = arith.constant 3 : i32
    %dma_start3A_123 = arith.constant 384 : i32
    %dma_start3A_124 = arith.constant 0 : i32
    %dma_start3A_125 = tpu.memref_slice %arg12[%dma_start3A_123, %dma_start3A_124] : memref<512x64xf32, #tpu.memory_space<vmem>> -> memref<128x64xf32, #tpu.memory_space<vmem>>
    %dma_start3A_126 = arith.constant 0 : i32
    %dma_start3A_127 = tpu.memref_slice %arg10[%dma_start3A_122, %dma_start3A_126] : memref<4x128xi32, #tpu.memory_space<vmem>> -> memref<1x128xi32, #tpu.memory_space<vmem>>
    %dma_start3A_128 = tpu.memref_squeeze %dma_start3A_127 : memref<1x128xi32, #tpu.memory_space<vmem>> -> memref<128xi32, #tpu.memory_space<vmem>>
    %dma_start3A_129 = arith.constant 0 : i32
    %dma_start3A_130 = arith.constant 0 : i32
    %dma_start3A_131 = tpu.memref_slice %arg7[%dma_start3A_129, %dma_start3A_130] : memref<1000000x64xf32, #tpu.memory_space<hbm>> -> memref<1000000x64xf32, #tpu.memory_space<hbm>>
    tpu.enqueue_indirect_dma source(%dma_start3A_131 : memref<1000000x64xf32, #tpu.memory_space<hbm>>) target(%dma_start3A_125 : memref<128x64xf32, #tpu.memory_space<vmem>>) offsets(%dma_start3A_128 : memref<128xi32, #tpu.memory_space<vmem>>) semaphore(%arg16 : memref<!tpu.dma_semaphore, #tpu.memory_space<semaphore_mem>>)
    %dma_start3A_132 = arith.constant 3 : i32
    %dma_start3A_133 = arith.constant 384 : i32
    %dma_start3A_134 = tpu.memref_slice %arg13[%dma_start3A_133] : memref<512xf32, #tpu.memory_space<vmem>> -> memref<128xf32, #tpu.memory_space<vmem>>
    %dma_start3A_135 = arith.constant 0 : i32
    %dma_start3A_136 = tpu.memref_slice %arg9[%dma_start3A_132, %dma_start3A_135] : memref<4x128xi32, #tpu.memory_space<vmem>> -> memref<1x128xi32, #tpu.memory_space<vmem>>
    %dma_start3A_137 = tpu.memref_squeeze %dma_start3A_136 : memref<1x128xi32, #tpu.memory_space<vmem>> -> memref<128xi32, #tpu.memory_space<vmem>>
    %dma_start3A_138 = arith.constant 0 : i32
    %dma_start3A_139 = tpu.memref_slice %arg4[%dma_start3A_138] : memref<1000000xf32, #tpu.memory_space<hbm>> -> memref<1000000xf32, #tpu.memory_space<hbm>>
    tpu.enqueue_indirect_dma source(%dma_start3A_139 : memref<1000000xf32, #tpu.memory_space<hbm>>) target(%dma_start3A_134 : memref<128xf32, #tpu.memory_space<vmem>>) offsets(%dma_start3A_137 : memref<128xi32, #tpu.memory_space<vmem>>) semaphore(%arg16 : memref<!tpu.dma_semaphore, #tpu.memory_space<semaphore_mem>>)
    %dma_start3A_140 = arith.constant 3 : i32
    %dma_start3A_141 = arith.constant 384 : i32
    %dma_start3A_142 = tpu.memref_slice %arg14[%dma_start3A_141] : memref<512xf32, #tpu.memory_space<vmem>> -> memref<128xf32, #tpu.memory_space<vmem>>
    %dma_start3A_143 = arith.constant 0 : i32
    %dma_start3A_144 = tpu.memref_slice %arg10[%dma_start3A_140, %dma_start3A_143] : memref<4x128xi32, #tpu.memory_space<vmem>> -> memref<1x128xi32, #tpu.memory_space<vmem>>
    %dma_start3A_145 = tpu.memref_squeeze %dma_start3A_144 : memref<1x128xi32, #tpu.memory_space<vmem>> -> memref<128xi32, #tpu.memory_space<vmem>>
    %dma_start3A_146 = arith.constant 0 : i32
    %dma_start3A_147 = tpu.memref_slice %arg5[%dma_start3A_146] : memref<1000000xf32, #tpu.memory_space<hbm>> -> memref<1000000xf32, #tpu.memory_space<hbm>>
    tpu.enqueue_indirect_dma source(%dma_start3A_147 : memref<1000000xf32, #tpu.memory_space<hbm>>) target(%dma_start3A_142 : memref<128xf32, #tpu.memory_space<vmem>>) offsets(%dma_start3A_145 : memref<128xi32, #tpu.memory_space<vmem>>) semaphore(%arg16 : memref<!tpu.dma_semaphore, #tpu.memory_space<semaphore_mem>>)
    %dma_wait3A = arith.constant 0 : i32
    %dma_wait3A_148 = arith.constant 0 : i32
    %dma_wait3A_149 = arith.constant 0 : i32
    %dma_wait3A_150 = tpu.memref_slice %arg11[%dma_wait3A_148, %dma_wait3A_149] : memref<512x64xf32, #tpu.memory_space<vmem>> -> memref<128x64xf32, #tpu.memory_space<vmem>>
    %dma_wait3A_151 = arith.constant 0 : i32
    %dma_wait3A_152 = tpu.memref_slice %arg9[%dma_wait3A, %dma_wait3A_151] : memref<4x128xi32, #tpu.memory_space<vmem>> -> memref<1x128xi32, #tpu.memory_space<vmem>>
    %dma_wait3A_153 = tpu.memref_squeeze %dma_wait3A_152 : memref<1x128xi32, #tpu.memory_space<vmem>> -> memref<128xi32, #tpu.memory_space<vmem>>
    %dma_wait3A_154 = arith.constant 0 : i32
    %dma_wait3A_155 = arith.constant 0 : i32
    %dma_wait3A_156 = tpu.memref_slice %arg6[%dma_wait3A_154, %dma_wait3A_155] : memref<1000000x64xf32, #tpu.memory_space<hbm>> -> memref<1000000x64xf32, #tpu.memory_space<hbm>>
    tpu.wait_indirect_dma semaphore(%arg16 : memref<!tpu.dma_semaphore, #tpu.memory_space<semaphore_mem>>) src(%dma_wait3A_156 : memref<1000000x64xf32, #tpu.memory_space<hbm>>) dst(%dma_wait3A_150 : memref<128x64xf32, #tpu.memory_space<vmem>>)
    %dma_wait3A_157 = arith.constant 0 : i32
    %dma_wait3A_158 = arith.constant 0 : i32
    %dma_wait3A_159 = arith.constant 0 : i32
    %dma_wait3A_160 = tpu.memref_slice %arg12[%dma_wait3A_158, %dma_wait3A_159] : memref<512x64xf32, #tpu.memory_space<vmem>> -> memref<128x64xf32, #tpu.memory_space<vmem>>
    %dma_wait3A_161 = arith.constant 0 : i32
    %dma_wait3A_162 = tpu.memref_slice %arg10[%dma_wait3A_157, %dma_wait3A_161] : memref<4x128xi32, #tpu.memory_space<vmem>> -> memref<1x128xi32, #tpu.memory_space<vmem>>
    %dma_wait3A_163 = tpu.memref_squeeze %dma_wait3A_162 : memref<1x128xi32, #tpu.memory_space<vmem>> -> memref<128xi32, #tpu.memory_space<vmem>>
    %dma_wait3A_164 = arith.constant 0 : i32
    %dma_wait3A_165 = arith.constant 0 : i32
    %dma_wait3A_166 = tpu.memref_slice %arg7[%dma_wait3A_164, %dma_wait3A_165] : memref<1000000x64xf32, #tpu.memory_space<hbm>> -> memref<1000000x64xf32, #tpu.memory_space<hbm>>
    tpu.wait_indirect_dma semaphore(%arg16 : memref<!tpu.dma_semaphore, #tpu.memory_space<semaphore_mem>>) src(%dma_wait3A_166 : memref<1000000x64xf32, #tpu.memory_space<hbm>>) dst(%dma_wait3A_160 : memref<128x64xf32, #tpu.memory_space<vmem>>)
    %dma_wait3A_167 = arith.constant 0 : i32
    %dma_wait3A_168 = arith.constant 0 : i32
    %dma_wait3A_169 = tpu.memref_slice %arg13[%dma_wait3A_168] : memref<512xf32, #tpu.memory_space<vmem>> -> memref<128xf32, #tpu.memory_space<vmem>>
    %dma_wait3A_170 = arith.constant 0 : i32
    %dma_wait3A_171 = tpu.memref_slice %arg9[%dma_wait3A_167, %dma_wait3A_170] : memref<4x128xi32, #tpu.memory_space<vmem>> -> memref<1x128xi32, #tpu.memory_space<vmem>>
    %dma_wait3A_172 = tpu.memref_squeeze %dma_wait3A_171 : memref<1x128xi32, #tpu.memory_space<vmem>> -> memref<128xi32, #tpu.memory_space<vmem>>
    %dma_wait3A_173 = arith.constant 0 : i32
    %dma_wait3A_174 = tpu.memref_slice %arg4[%dma_wait3A_173] : memref<1000000xf32, #tpu.memory_space<hbm>> -> memref<1000000xf32, #tpu.memory_space<hbm>>
    tpu.wait_indirect_dma semaphore(%arg16 : memref<!tpu.dma_semaphore, #tpu.memory_space<semaphore_mem>>) src(%dma_wait3A_174 : memref<1000000xf32, #tpu.memory_space<hbm>>) dst(%dma_wait3A_169 : memref<128xf32, #tpu.memory_space<vmem>>)
    %dma_wait3A_175 = arith.constant 0 : i32
    %dma_wait3A_176 = arith.constant 0 : i32
    %dma_wait3A_177 = tpu.memref_slice %arg14[%dma_wait3A_176] : memref<512xf32, #tpu.memory_space<vmem>> -> memref<128xf32, #tpu.memory_space<vmem>>
    %dma_wait3A_178 = arith.constant 0 : i32
    %dma_wait3A_179 = tpu.memref_slice %arg10[%dma_wait3A_175, %dma_wait3A_178] : memref<4x128xi32, #tpu.memory_space<vmem>> -> memref<1x128xi32, #tpu.memory_space<vmem>>
    %dma_wait3A_180 = tpu.memref_squeeze %dma_wait3A_179 : memref<1x128xi32, #tpu.memory_space<vmem>> -> memref<128xi32, #tpu.memory_space<vmem>>
    %dma_wait3A_181 = arith.constant 0 : i32
    %dma_wait3A_182 = tpu.memref_slice %arg5[%dma_wait3A_181] : memref<1000000xf32, #tpu.memory_space<hbm>> -> memref<1000000xf32, #tpu.memory_space<hbm>>
    tpu.wait_indirect_dma semaphore(%arg16 : memref<!tpu.dma_semaphore, #tpu.memory_space<semaphore_mem>>) src(%dma_wait3A_182 : memref<1000000xf32, #tpu.memory_space<hbm>>) dst(%dma_wait3A_177 : memref<128xf32, #tpu.memory_space<vmem>>)
    %dma_wait3A_183 = arith.constant 1 : i32
    %dma_wait3A_184 = arith.constant 128 : i32
    %dma_wait3A_185 = arith.constant 0 : i32
    %dma_wait3A_186 = tpu.memref_slice %arg11[%dma_wait3A_184, %dma_wait3A_185] : memref<512x64xf32, #tpu.memory_space<vmem>> -> memref<128x64xf32, #tpu.memory_space<vmem>>
    %dma_wait3A_187 = arith.constant 0 : i32
    %dma_wait3A_188 = tpu.memref_slice %arg9[%dma_wait3A_183, %dma_wait3A_187] : memref<4x128xi32, #tpu.memory_space<vmem>> -> memref<1x128xi32, #tpu.memory_space<vmem>>
    %dma_wait3A_189 = tpu.memref_squeeze %dma_wait3A_188 : memref<1x128xi32, #tpu.memory_space<vmem>> -> memref<128xi32, #tpu.memory_space<vmem>>
    %dma_wait3A_190 = arith.constant 0 : i32
    %dma_wait3A_191 = arith.constant 0 : i32
    %dma_wait3A_192 = tpu.memref_slice %arg6[%dma_wait3A_190, %dma_wait3A_191] : memref<1000000x64xf32, #tpu.memory_space<hbm>> -> memref<1000000x64xf32, #tpu.memory_space<hbm>>
    tpu.wait_indirect_dma semaphore(%arg16 : memref<!tpu.dma_semaphore, #tpu.memory_space<semaphore_mem>>) src(%dma_wait3A_192 : memref<1000000x64xf32, #tpu.memory_space<hbm>>) dst(%dma_wait3A_186 : memref<128x64xf32, #tpu.memory_space<vmem>>)
    %dma_wait3A_193 = arith.constant 1 : i32
    %dma_wait3A_194 = arith.constant 128 : i32
    %dma_wait3A_195 = arith.constant 0 : i32
    %dma_wait3A_196 = tpu.memref_slice %arg12[%dma_wait3A_194, %dma_wait3A_195] : memref<512x64xf32, #tpu.memory_space<vmem>> -> memref<128x64xf32, #tpu.memory_space<vmem>>
    %dma_wait3A_197 = arith.constant 0 : i32
    %dma_wait3A_198 = tpu.memref_slice %arg10[%dma_wait3A_193, %dma_wait3A_197] : memref<4x128xi32, #tpu.memory_space<vmem>> -> memref<1x128xi32, #tpu.memory_space<vmem>>
    %dma_wait3A_199 = tpu.memref_squeeze %dma_wait3A_198 : memref<1x128xi32, #tpu.memory_space<vmem>> -> memref<128xi32, #tpu.memory_space<vmem>>
    %dma_wait3A_200 = arith.constant 0 : i32
    %dma_wait3A_201 = arith.constant 0 : i32
    %dma_wait3A_202 = tpu.memref_slice %arg7[%dma_wait3A_200, %dma_wait3A_201] : memref<1000000x64xf32, #tpu.memory_space<hbm>> -> memref<1000000x64xf32, #tpu.memory_space<hbm>>
    tpu.wait_indirect_dma semaphore(%arg16 : memref<!tpu.dma_semaphore, #tpu.memory_space<semaphore_mem>>) src(%dma_wait3A_202 : memref<1000000x64xf32, #tpu.memory_space<hbm>>) dst(%dma_wait3A_196 : memref<128x64xf32, #tpu.memory_space<vmem>>)
    %dma_wait3A_203 = arith.constant 1 : i32
    %dma_wait3A_204 = arith.constant 128 : i32
    %dma_wait3A_205 = tpu.memref_slice %arg13[%dma_wait3A_204] : memref<512xf32, #tpu.memory_space<vmem>> -> memref<128xf32, #tpu.memory_space<vmem>>
    %dma_wait3A_206 = arith.constant 0 : i32
    %dma_wait3A_207 = tpu.memref_slice %arg9[%dma_wait3A_203, %dma_wait3A_206] : memref<4x128xi32, #tpu.memory_space<vmem>> -> memref<1x128xi32, #tpu.memory_space<vmem>>
    %dma_wait3A_208 = tpu.memref_squeeze %dma_wait3A_207 : memref<1x128xi32, #tpu.memory_space<vmem>> -> memref<128xi32, #tpu.memory_space<vmem>>
    %dma_wait3A_209 = arith.constant 0 : i32
    %dma_wait3A_210 = tpu.memref_slice %arg4[%dma_wait3A_209] : memref<1000000xf32, #tpu.memory_space<hbm>> -> memref<1000000xf32, #tpu.memory_space<hbm>>
    tpu.wait_indirect_dma semaphore(%arg16 : memref<!tpu.dma_semaphore, #tpu.memory_space<semaphore_mem>>) src(%dma_wait3A_210 : memref<1000000xf32, #tpu.memory_space<hbm>>) dst(%dma_wait3A_205 : memref<128xf32, #tpu.memory_space<vmem>>)
    %dma_wait3A_211 = arith.constant 1 : i32
    %dma_wait3A_212 = arith.constant 128 : i32
    %dma_wait3A_213 = tpu.memref_slice %arg14[%dma_wait3A_212] : memref<512xf32, #tpu.memory_space<vmem>> -> memref<128xf32, #tpu.memory_space<vmem>>
    %dma_wait3A_214 = arith.constant 0 : i32
    %dma_wait3A_215 = tpu.memref_slice %arg10[%dma_wait3A_211, %dma_wait3A_214] : memref<4x128xi32, #tpu.memory_space<vmem>> -> memref<1x128xi32, #tpu.memory_space<vmem>>
    %dma_wait3A_216 = tpu.memref_squeeze %dma_wait3A_215 : memref<1x128xi32, #tpu.memory_space<vmem>> -> memref<128xi32, #tpu.memory_space<vmem>>
    %dma_wait3A_217 = arith.constant 0 : i32
    %dma_wait3A_218 = tpu.memref_slice %arg5[%dma_wait3A_217] : memref<1000000xf32, #tpu.memory_space<hbm>> -> memref<1000000xf32, #tpu.memory_space<hbm>>
    tpu.wait_indirect_dma semaphore(%arg16 : memref<!tpu.dma_semaphore, #tpu.memory_space<semaphore_mem>>) src(%dma_wait3A_218 : memref<1000000xf32, #tpu.memory_space<hbm>>) dst(%dma_wait3A_213 : memref<128xf32, #tpu.memory_space<vmem>>)
    %dma_wait3A_219 = arith.constant 2 : i32
    %dma_wait3A_220 = arith.constant 256 : i32
    %dma_wait3A_221 = arith.constant 0 : i32
    %dma_wait3A_222 = tpu.memref_slice %arg11[%dma_wait3A_220, %dma_wait3A_221] : memref<512x64xf32, #tpu.memory_space<vmem>> -> memref<128x64xf32, #tpu.memory_space<vmem>>
    %dma_wait3A_223 = arith.constant 0 : i32
    %dma_wait3A_224 = tpu.memref_slice %arg9[%dma_wait3A_219, %dma_wait3A_223] : memref<4x128xi32, #tpu.memory_space<vmem>> -> memref<1x128xi32, #tpu.memory_space<vmem>>
    %dma_wait3A_225 = tpu.memref_squeeze %dma_wait3A_224 : memref<1x128xi32, #tpu.memory_space<vmem>> -> memref<128xi32, #tpu.memory_space<vmem>>
    %dma_wait3A_226 = arith.constant 0 : i32
    %dma_wait3A_227 = arith.constant 0 : i32
    %dma_wait3A_228 = tpu.memref_slice %arg6[%dma_wait3A_226, %dma_wait3A_227] : memref<1000000x64xf32, #tpu.memory_space<hbm>> -> memref<1000000x64xf32, #tpu.memory_space<hbm>>
    tpu.wait_indirect_dma semaphore(%arg16 : memref<!tpu.dma_semaphore, #tpu.memory_space<semaphore_mem>>) src(%dma_wait3A_228 : memref<1000000x64xf32, #tpu.memory_space<hbm>>) dst(%dma_wait3A_222 : memref<128x64xf32, #tpu.memory_space<vmem>>)
    %dma_wait3A_229 = arith.constant 2 : i32
    %dma_wait3A_230 = arith.constant 256 : i32
    %dma_wait3A_231 = arith.constant 0 : i32
    %dma_wait3A_232 = tpu.memref_slice %arg12[%dma_wait3A_230, %dma_wait3A_231] : memref<512x64xf32, #tpu.memory_space<vmem>> -> memref<128x64xf32, #tpu.memory_space<vmem>>
    %dma_wait3A_233 = arith.constant 0 : i32
    %dma_wait3A_234 = tpu.memref_slice %arg10[%dma_wait3A_229, %dma_wait3A_233] : memref<4x128xi32, #tpu.memory_space<vmem>> -> memref<1x128xi32, #tpu.memory_space<vmem>>
    %dma_wait3A_235 = tpu.memref_squeeze %dma_wait3A_234 : memref<1x128xi32, #tpu.memory_space<vmem>> -> memref<128xi32, #tpu.memory_space<vmem>>
    %dma_wait3A_236 = arith.constant 0 : i32
    %dma_wait3A_237 = arith.constant 0 : i32
    %dma_wait3A_238 = tpu.memref_slice %arg7[%dma_wait3A_236, %dma_wait3A_237] : memref<1000000x64xf32, #tpu.memory_space<hbm>> -> memref<1000000x64xf32, #tpu.memory_space<hbm>>
    tpu.wait_indirect_dma semaphore(%arg16 : memref<!tpu.dma_semaphore, #tpu.memory_space<semaphore_mem>>) src(%dma_wait3A_238 : memref<1000000x64xf32, #tpu.memory_space<hbm>>) dst(%dma_wait3A_232 : memref<128x64xf32, #tpu.memory_space<vmem>>)
    %dma_wait3A_239 = arith.constant 2 : i32
    %dma_wait3A_240 = arith.constant 256 : i32
    %dma_wait3A_241 = tpu.memref_slice %arg13[%dma_wait3A_240] : memref<512xf32, #tpu.memory_space<vmem>> -> memref<128xf32, #tpu.memory_space<vmem>>
    %dma_wait3A_242 = arith.constant 0 : i32
    %dma_wait3A_243 = tpu.memref_slice %arg9[%dma_wait3A_239, %dma_wait3A_242] : memref<4x128xi32, #tpu.memory_space<vmem>> -> memref<1x128xi32, #tpu.memory_space<vmem>>
    %dma_wait3A_244 = tpu.memref_squeeze %dma_wait3A_243 : memref<1x128xi32, #tpu.memory_space<vmem>> -> memref<128xi32, #tpu.memory_space<vmem>>
    %dma_wait3A_245 = arith.constant 0 : i32
    %dma_wait3A_246 = tpu.memref_slice %arg4[%dma_wait3A_245] : memref<1000000xf32, #tpu.memory_space<hbm>> -> memref<1000000xf32, #tpu.memory_space<hbm>>
    tpu.wait_indirect_dma semaphore(%arg16 : memref<!tpu.dma_semaphore, #tpu.memory_space<semaphore_mem>>) src(%dma_wait3A_246 : memref<1000000xf32, #tpu.memory_space<hbm>>) dst(%dma_wait3A_241 : memref<128xf32, #tpu.memory_space<vmem>>)
    %dma_wait3A_247 = arith.constant 2 : i32
    %dma_wait3A_248 = arith.constant 256 : i32
    %dma_wait3A_249 = tpu.memref_slice %arg14[%dma_wait3A_248] : memref<512xf32, #tpu.memory_space<vmem>> -> memref<128xf32, #tpu.memory_space<vmem>>
    %dma_wait3A_250 = arith.constant 0 : i32
    %dma_wait3A_251 = tpu.memref_slice %arg10[%dma_wait3A_247, %dma_wait3A_250] : memref<4x128xi32, #tpu.memory_space<vmem>> -> memref<1x128xi32, #tpu.memory_space<vmem>>
    %dma_wait3A_252 = tpu.memref_squeeze %dma_wait3A_251 : memref<1x128xi32, #tpu.memory_space<vmem>> -> memref<128xi32, #tpu.memory_space<vmem>>
    %dma_wait3A_253 = arith.constant 0 : i32
    %dma_wait3A_254 = tpu.memref_slice %arg5[%dma_wait3A_253] : memref<1000000xf32, #tpu.memory_space<hbm>> -> memref<1000000xf32, #tpu.memory_space<hbm>>
    tpu.wait_indirect_dma semaphore(%arg16 : memref<!tpu.dma_semaphore, #tpu.memory_space<semaphore_mem>>) src(%dma_wait3A_254 : memref<1000000xf32, #tpu.memory_space<hbm>>) dst(%dma_wait3A_249 : memref<128xf32, #tpu.memory_space<vmem>>)
    %dma_wait3A_255 = arith.constant 3 : i32
    %dma_wait3A_256 = arith.constant 384 : i32
    %dma_wait3A_257 = arith.constant 0 : i32
    %dma_wait3A_258 = tpu.memref_slice %arg11[%dma_wait3A_256, %dma_wait3A_257] : memref<512x64xf32, #tpu.memory_space<vmem>> -> memref<128x64xf32, #tpu.memory_space<vmem>>
    %dma_wait3A_259 = arith.constant 0 : i32
    %dma_wait3A_260 = tpu.memref_slice %arg9[%dma_wait3A_255, %dma_wait3A_259] : memref<4x128xi32, #tpu.memory_space<vmem>> -> memref<1x128xi32, #tpu.memory_space<vmem>>
    %dma_wait3A_261 = tpu.memref_squeeze %dma_wait3A_260 : memref<1x128xi32, #tpu.memory_space<vmem>> -> memref<128xi32, #tpu.memory_space<vmem>>
    %dma_wait3A_262 = arith.constant 0 : i32
    %dma_wait3A_263 = arith.constant 0 : i32
    %dma_wait3A_264 = tpu.memref_slice %arg6[%dma_wait3A_262, %dma_wait3A_263] : memref<1000000x64xf32, #tpu.memory_space<hbm>> -> memref<1000000x64xf32, #tpu.memory_space<hbm>>
    tpu.wait_indirect_dma semaphore(%arg16 : memref<!tpu.dma_semaphore, #tpu.memory_space<semaphore_mem>>) src(%dma_wait3A_264 : memref<1000000x64xf32, #tpu.memory_space<hbm>>) dst(%dma_wait3A_258 : memref<128x64xf32, #tpu.memory_space<vmem>>)
    %dma_wait3A_265 = arith.constant 3 : i32
    %dma_wait3A_266 = arith.constant 384 : i32
    %dma_wait3A_267 = arith.constant 0 : i32
    %dma_wait3A_268 = tpu.memref_slice %arg12[%dma_wait3A_266, %dma_wait3A_267] : memref<512x64xf32, #tpu.memory_space<vmem>> -> memref<128x64xf32, #tpu.memory_space<vmem>>
    %dma_wait3A_269 = arith.constant 0 : i32
    %dma_wait3A_270 = tpu.memref_slice %arg10[%dma_wait3A_265, %dma_wait3A_269] : memref<4x128xi32, #tpu.memory_space<vmem>> -> memref<1x128xi32, #tpu.memory_space<vmem>>
    %dma_wait3A_271 = tpu.memref_squeeze %dma_wait3A_270 : memref<1x128xi32, #tpu.memory_space<vmem>> -> memref<128xi32, #tpu.memory_space<vmem>>
    %dma_wait3A_272 = arith.constant 0 : i32
    %dma_wait3A_273 = arith.constant 0 : i32
    %dma_wait3A_274 = tpu.memref_slice %arg7[%dma_wait3A_272, %dma_wait3A_273] : memref<1000000x64xf32, #tpu.memory_space<hbm>> -> memref<1000000x64xf32, #tpu.memory_space<hbm>>
    tpu.wait_indirect_dma semaphore(%arg16 : memref<!tpu.dma_semaphore, #tpu.memory_space<semaphore_mem>>) src(%dma_wait3A_274 : memref<1000000x64xf32, #tpu.memory_space<hbm>>) dst(%dma_wait3A_268 : memref<128x64xf32, #tpu.memory_space<vmem>>)
    %dma_wait3A_275 = arith.constant 3 : i32
    %dma_wait3A_276 = arith.constant 384 : i32
    %dma_wait3A_277 = tpu.memref_slice %arg13[%dma_wait3A_276] : memref<512xf32, #tpu.memory_space<vmem>> -> memref<128xf32, #tpu.memory_space<vmem>>
    %dma_wait3A_278 = arith.constant 0 : i32
    %dma_wait3A_279 = tpu.memref_slice %arg9[%dma_wait3A_275, %dma_wait3A_278] : memref<4x128xi32, #tpu.memory_space<vmem>> -> memref<1x128xi32, #tpu.memory_space<vmem>>
    %dma_wait3A_280 = tpu.memref_squeeze %dma_wait3A_279 : memref<1x128xi32, #tpu.memory_space<vmem>> -> memref<128xi32, #tpu.memory_space<vmem>>
    %dma_wait3A_281 = arith.constant 0 : i32
    %dma_wait3A_282 = tpu.memref_slice %arg4[%dma_wait3A_281] : memref<1000000xf32, #tpu.memory_space<hbm>> -> memref<1000000xf32, #tpu.memory_space<hbm>>
    tpu.wait_indirect_dma semaphore(%arg16 : memref<!tpu.dma_semaphore, #tpu.memory_space<semaphore_mem>>) src(%dma_wait3A_282 : memref<1000000xf32, #tpu.memory_space<hbm>>) dst(%dma_wait3A_277 : memref<128xf32, #tpu.memory_space<vmem>>)
    %dma_wait3A_283 = arith.constant 3 : i32
    %dma_wait3A_284 = arith.constant 384 : i32
    %dma_wait3A_285 = tpu.memref_slice %arg14[%dma_wait3A_284] : memref<512xf32, #tpu.memory_space<vmem>> -> memref<128xf32, #tpu.memory_space<vmem>>
    %dma_wait3A_286 = arith.constant 0 : i32
    %dma_wait3A_287 = tpu.memref_slice %arg10[%dma_wait3A_283, %dma_wait3A_286] : memref<4x128xi32, #tpu.memory_space<vmem>> -> memref<1x128xi32, #tpu.memory_space<vmem>>
    %dma_wait3A_288 = tpu.memref_squeeze %dma_wait3A_287 : memref<1x128xi32, #tpu.memory_space<vmem>> -> memref<128xi32, #tpu.memory_space<vmem>>
    %dma_wait3A_289 = arith.constant 0 : i32
    %dma_wait3A_290 = tpu.memref_slice %arg5[%dma_wait3A_289] : memref<1000000xf32, #tpu.memory_space<hbm>> -> memref<1000000xf32, #tpu.memory_space<hbm>>
    tpu.wait_indirect_dma semaphore(%arg16 : memref<!tpu.dma_semaphore, #tpu.memory_space<semaphore_mem>>) src(%dma_wait3A_290 : memref<1000000xf32, #tpu.memory_space<hbm>>) dst(%dma_wait3A_285 : memref<128xf32, #tpu.memory_space<vmem>>)
    %iota3A = tpu.iota {dimensions = array<i32: 0>} : vector<16xi32>
    %scan3A = arith.constant 0 : i32
    %scan3A_291 = arith.constant 0 : i32
    %scan3A_292 = arith.constant 32 : i32
    %scan3A_293 = arith.addi %scan3A_291, %scan3A_292 : i32
    %scan3A_294 = arith.constant 1 : i32
    scf.for %scan3A_296 = %scan3A_291 to %scan3A_293 step %scan3A_294  : i32 {
      %mul3A_297 = arith.constant 16 : i32
      %mul3A_298 = arith.muli %scan3A_296, %mul3A_297 : i32
      %get3A = arith.index_cast %mul3A_298 : i32 to index
      %get3A_299 = tpu.vector_load %arg13[%get3A] {strides = array<i32>} : memref<512xf32, #tpu.memory_space<vmem>>, vector<16xf32>,
      %get3A_300 = vector.shape_cast %get3A_299 : vector<16xf32> to vector<16xf32>
      %get3A_301 = arith.index_cast %mul3A_298 : i32 to index
      %get3A_302 = tpu.vector_load %arg14[%get3A_301] {strides = array<i32>} : memref<512xf32, #tpu.memory_space<vmem>>, vector<16xf32>,
      %get3A_303 = vector.shape_cast %get3A_302 : vector<16xf32> to vector<16xf32>
      %add3A_304 = arith.addf %get3A_300, %get3A_303 : vector<16xf32>
      %add3A_305 = arith.constant 0 : i32
      %add3A_306 = arith.addi %mul3A_298, %add3A_305 : i32
      %get3A_307 = arith.index_cast %add3A_306 : i32 to index
      %get3A_308 = arith.constant 0 : index
      %get3A_309 = tpu.vector_load %arg11[%get3A_307, %get3A_308] {strides = array<i32>} : memref<512x64xf32, #tpu.memory_space<vmem>>, vector<1x16xf32>,
      %get3A_310 = vector.shape_cast %get3A_309 : vector<1x16xf32> to vector<16xf32>
      %add3A_311 = arith.constant 0 : i32
      %add3A_312 = arith.addi %mul3A_298, %add3A_311 : i32
      %get3A_313 = arith.index_cast %add3A_312 : i32 to index
      %get3A_314 = arith.constant 0 : index
      %get3A_315 = tpu.vector_load %arg12[%get3A_313, %get3A_314] {strides = array<i32>} : memref<512x64xf32, #tpu.memory_space<vmem>>, vector<1x16xf32>,
      %get3A_316 = vector.shape_cast %get3A_315 : vector<1x16xf32> to vector<16xf32>
      %mul3A_317 = arith.mulf %get3A_310, %get3A_316 : vector<16xf32>
      %add3A_318 = arith.constant 0 : i32
      %add3A_319 = arith.addi %mul3A_298, %add3A_318 : i32
      %get3A_320 = arith.index_cast %add3A_319 : i32 to index
      %get3A_321 = arith.constant 16 : index
      %get3A_322 = tpu.vector_load %arg11[%get3A_320, %get3A_321] {strides = array<i32>} : memref<512x64xf32, #tpu.memory_space<vmem>>, vector<1x16xf32>,
      %get3A_323 = vector.shape_cast %get3A_322 : vector<1x16xf32> to vector<16xf32>
      %add3A_324 = arith.constant 0 : i32
      %add3A_325 = arith.addi %mul3A_298, %add3A_324 : i32
      %get3A_326 = arith.index_cast %add3A_325 : i32 to index
      %get3A_327 = arith.constant 16 : index
      %get3A_328 = tpu.vector_load %arg12[%get3A_326, %get3A_327] {strides = array<i32>} : memref<512x64xf32, #tpu.memory_space<vmem>>, vector<1x16xf32>,
      %get3A_329 = vector.shape_cast %get3A_328 : vector<1x16xf32> to vector<16xf32>
      %mul3A_330 = arith.mulf %get3A_323, %get3A_329 : vector<16xf32>
      %add3A_331 = arith.addf %mul3A_317, %mul3A_330 : vector<16xf32>
      %add3A_332 = arith.constant 0 : i32
      %add3A_333 = arith.addi %mul3A_298, %add3A_332 : i32
      %get3A_334 = arith.index_cast %add3A_333 : i32 to index
      %get3A_335 = arith.constant 32 : index
      %get3A_336 = tpu.vector_load %arg11[%get3A_334, %get3A_335] {strides = array<i32>} : memref<512x64xf32, #tpu.memory_space<vmem>>, vector<1x16xf32>,
      %get3A_337 = vector.shape_cast %get3A_336 : vector<1x16xf32> to vector<16xf32>
      %add3A_338 = arith.constant 0 : i32
      %add3A_339 = arith.addi %mul3A_298, %add3A_338 : i32
      %get3A_340 = arith.index_cast %add3A_339 : i32 to index
      %get3A_341 = arith.constant 32 : index
      %get3A_342 = tpu.vector_load %arg12[%get3A_340, %get3A_341] {strides = array<i32>} : memref<512x64xf32, #tpu.memory_space<vmem>>, vector<1x16xf32>,
      %get3A_343 = vector.shape_cast %get3A_342 : vector<1x16xf32> to vector<16xf32>
      %mul3A_344 = arith.mulf %get3A_337, %get3A_343 : vector<16xf32>
      %add3A_345 = arith.addf %add3A_331, %mul3A_344 : vector<16xf32>
      %add3A_346 = arith.constant 0 : i32
      %add3A_347 = arith.addi %mul3A_298, %add3A_346 : i32
      %get3A_348 = arith.index_cast %add3A_347 : i32 to index
      %get3A_349 = arith.constant 48 : index
      %get3A_350 = tpu.vector_load %arg11[%get3A_348, %get3A_349] {strides = array<i32>} : memref<512x64xf32, #tpu.memory_space<vmem>>, vector<1x16xf32>,
      %get3A_351 = vector.shape_cast %get3A_350 : vector<1x16xf32> to vector<16xf32>
      %add3A_352 = arith.constant 0 : i32
      %add3A_353 = arith.addi %mul3A_298, %add3A_352 : i32
      %get3A_354 = arith.index_cast %add3A_353 : i32 to index
      %get3A_355 = arith.constant 48 : index
      %get3A_356 = tpu.vector_load %arg12[%get3A_354, %get3A_355] {strides = array<i32>} : memref<512x64xf32, #tpu.memory_space<vmem>>, vector<1x16xf32>,
      %get3A_357 = vector.shape_cast %get3A_356 : vector<1x16xf32> to vector<16xf32>
      %mul3A_358 = arith.mulf %get3A_351, %get3A_357 : vector<16xf32>
      %add3A_359 = arith.addf %add3A_345, %mul3A_358 : vector<16xf32>
      %xor3A = arith.constant 1 : i32
      %xor3A_360 = vector.broadcast %xor3A : i32 to vector<16xi32>
      %xor3A_361 = arith.xori %iota3A, %xor3A_360 : vector<16xi32>
      %broadcast_in_dim3A = vector.shape_cast %xor3A_361 : vector<16xi32> to vector<16x1xi32>
      %gather3A = vector.shape_cast %broadcast_in_dim3A : vector<16x1xi32> to vector<16xi32>
      %gather3A_362 = tpu.dynamic_gather %add3A_359[%gather3A] in [0] : vector<16xf32>, vector<16xi32> -> vector<16xf32>
      %add3A_363 = arith.addf %add3A_359, %gather3A_362 : vector<16xf32>
      %xor3A_364 = arith.constant 2 : i32
      %xor3A_365 = vector.broadcast %xor3A_364 : i32 to vector<16xi32>
      %xor3A_366 = arith.xori %iota3A, %xor3A_365 : vector<16xi32>
      %broadcast_in_dim3A_367 = vector.shape_cast %xor3A_366 : vector<16xi32> to vector<16x1xi32>
      %gather3A_368 = vector.shape_cast %broadcast_in_dim3A_367 : vector<16x1xi32> to vector<16xi32>
      %gather3A_369 = tpu.dynamic_gather %add3A_363[%gather3A_368] in [0] : vector<16xf32>, vector<16xi32> -> vector<16xf32>
      %add3A_370 = arith.addf %add3A_363, %gather3A_369 : vector<16xf32>
      %xor3A_371 = arith.constant 4 : i32
      %xor3A_372 = vector.broadcast %xor3A_371 : i32 to vector<16xi32>
      %xor3A_373 = arith.xori %iota3A, %xor3A_372 : vector<16xi32>
      %broadcast_in_dim3A_374 = vector.shape_cast %xor3A_373 : vector<16xi32> to vector<16x1xi32>
      %gather3A_375 = vector.shape_cast %broadcast_in_dim3A_374 : vector<16x1xi32> to vector<16xi32>
      %gather3A_376 = tpu.dynamic_gather %add3A_370[%gather3A_375] in [0] : vector<16xf32>, vector<16xi32> -> vector<16xf32>
      %add3A_377 = arith.addf %add3A_370, %gather3A_376 : vector<16xf32>
      %xor3A_378 = arith.constant 8 : i32
      %xor3A_379 = vector.broadcast %xor3A_378 : i32 to vector<16xi32>
      %xor3A_380 = arith.xori %iota3A, %xor3A_379 : vector<16xi32>
      %broadcast_in_dim3A_381 = vector.shape_cast %xor3A_380 : vector<16xi32> to vector<16x1xi32>
      %gather3A_382 = vector.shape_cast %broadcast_in_dim3A_381 : vector<16x1xi32> to vector<16xi32>
      %gather3A_383 = tpu.dynamic_gather %add3A_377[%gather3A_382] in [0] : vector<16xf32>, vector<16xi32> -> vector<16xf32>
      %add3A_384 = arith.addf %add3A_377, %gather3A_383 : vector<16xf32>
      %eq3A = arith.constant 0 : i32
      %eq3A_385 = vector.broadcast %eq3A : i32 to vector<16xi32>
      %eq3A_386 = arith.cmpi eq, %iota3A, %eq3A_385 : vector<16xi32>
      %add3A_387 = arith.addf %add3A_304, %add3A_384 : vector<16xf32>
      %select_n3A = arith.select %eq3A_386, %add3A_387, %add3A_304 : vector<16xi1>, vector<16xf32>
      %add3A_388 = arith.constant 1 : i32
      %add3A_389 = arith.addi %mul3A_298, %add3A_388 : i32
      %get3A_390 = arith.index_cast %add3A_389 : i32 to index
      %get3A_391 = arith.constant 0 : index
      %get3A_392 = tpu.vector_load %arg11[%get3A_390, %get3A_391] {strides = array<i32>} : memref<512x64xf32, #tpu.memory_space<vmem>>, vector<1x16xf32>,
      %get3A_393 = vector.shape_cast %get3A_392 : vector<1x16xf32> to vector<16xf32>
      %add3A_394 = arith.constant 1 : i32
      %add3A_395 = arith.addi %mul3A_298, %add3A_394 : i32
      %get3A_396 = arith.index_cast %add3A_395 : i32 to index
      %get3A_397 = arith.constant 0 : index
      %get3A_398 = tpu.vector_load %arg12[%get3A_396, %get3A_397] {strides = array<i32>} : memref<512x64xf32, #tpu.memory_space<vmem>>, vector<1x16xf32>,
      %get3A_399 = vector.shape_cast %get3A_398 : vector<1x16xf32> to vector<16xf32>
      %mul3A_400 = arith.mulf %get3A_393, %get3A_399 : vector<16xf32>
      %add3A_401 = arith.constant 1 : i32
      %add3A_402 = arith.addi %mul3A_298, %add3A_401 : i32
      %get3A_403 = arith.index_cast %add3A_402 : i32 to index
      %get3A_404 = arith.constant 16 : index
      %get3A_405 = tpu.vector_load %arg11[%get3A_403, %get3A_404] {strides = array<i32>} : memref<512x64xf32, #tpu.memory_space<vmem>>, vector<1x16xf32>,
      %get3A_406 = vector.shape_cast %get3A_405 : vector<1x16xf32> to vector<16xf32>
      %add3A_407 = arith.constant 1 : i32
      %add3A_408 = arith.addi %mul3A_298, %add3A_407 : i32
      %get3A_409 = arith.index_cast %add3A_408 : i32 to index
      %get3A_410 = arith.constant 16 : index
      %get3A_411 = tpu.vector_load %arg12[%get3A_409, %get3A_410] {strides = array<i32>} : memref<512x64xf32, #tpu.memory_space<vmem>>, vector<1x16xf32>,
      %get3A_412 = vector.shape_cast %get3A_411 : vector<1x16xf32> to vector<16xf32>
      %mul3A_413 = arith.mulf %get3A_406, %get3A_412 : vector<16xf32>
      %add3A_414 = arith.addf %mul3A_400, %mul3A_413 : vector<16xf32>
      %add3A_415 = arith.constant 1 : i32
      %add3A_416 = arith.addi %mul3A_298, %add3A_415 : i32
      %get3A_417 = arith.index_cast %add3A_416 : i32 to index
      %get3A_418 = arith.constant 32 : index
      %get3A_419 = tpu.vector_load %arg11[%get3A_417, %get3A_418] {strides = array<i32>} : memref<512x64xf32, #tpu.memory_space<vmem>>, vector<1x16xf32>,
      %get3A_420 = vector.shape_cast %get3A_419 : vector<1x16xf32> to vector<16xf32>
      %add3A_421 = arith.constant 1 : i32
      %add3A_422 = arith.addi %mul3A_298, %add3A_421 : i32
      %get3A_423 = arith.index_cast %add3A_422 : i32 to index
      %get3A_424 = arith.constant 32 : index
      %get3A_425 = tpu.vector_load %arg12[%get3A_423, %get3A_424] {strides = array<i32>} : memref<512x64xf32, #tpu.memory_space<vmem>>, vector<1x16xf32>,
      %get3A_426 = vector.shape_cast %get3A_425 : vector<1x16xf32> to vector<16xf32>
      %mul3A_427 = arith.mulf %get3A_420, %get3A_426 : vector<16xf32>
      %add3A_428 = arith.addf %add3A_414, %mul3A_427 : vector<16xf32>
      %add3A_429 = arith.constant 1 : i32
      %add3A_430 = arith.addi %mul3A_298, %add3A_429 : i32
      %get3A_431 = arith.index_cast %add3A_430 : i32 to index
      %get3A_432 = arith.constant 48 : index
      %get3A_433 = tpu.vector_load %arg11[%get3A_431, %get3A_432] {strides = array<i32>} : memref<512x64xf32, #tpu.memory_space<vmem>>, vector<1x16xf32>,
      %get3A_434 = vector.shape_cast %get3A_433 : vector<1x16xf32> to vector<16xf32>
      %add3A_435 = arith.constant 1 : i32
      %add3A_436 = arith.addi %mul3A_298, %add3A_435 : i32
      %get3A_437 = arith.index_cast %add3A_436 : i32 to index
      %get3A_438 = arith.constant 48 : index
      %get3A_439 = tpu.vector_load %arg12[%get3A_437, %get3A_438] {strides = array<i32>} : memref<512x64xf32, #tpu.memory_space<vmem>>, vector<1x16xf32>,
      %get3A_440 = vector.shape_cast %get3A_439 : vector<1x16xf32> to vector<16xf32>
      %mul3A_441 = arith.mulf %get3A_434, %get3A_440 : vector<16xf32>
      %add3A_442 = arith.addf %add3A_428, %mul3A_441 : vector<16xf32>
      %xor3A_443 = arith.constant 1 : i32
      %xor3A_444 = vector.broadcast %xor3A_443 : i32 to vector<16xi32>
      %xor3A_445 = arith.xori %iota3A, %xor3A_444 : vector<16xi32>
      %broadcast_in_dim3A_446 = vector.shape_cast %xor3A_445 : vector<16xi32> to vector<16x1xi32>
      %gather3A_447 = vector.shape_cast %broadcast_in_dim3A_446 : vector<16x1xi32> to vector<16xi32>
      %gather3A_448 = tpu.dynamic_gather %add3A_442[%gather3A_447] in [0] : vector<16xf32>, vector<16xi32> -> vector<16xf32>
      %add3A_449 = arith.addf %add3A_442, %gather3A_448 : vector<16xf32>
      %xor3A_450 = arith.constant 2 : i32
      %xor3A_451 = vector.broadcast %xor3A_450 : i32 to vector<16xi32>
      %xor3A_452 = arith.xori %iota3A, %xor3A_451 : vector<16xi32>
      %broadcast_in_dim3A_453 = vector.shape_cast %xor3A_452 : vector<16xi32> to vector<16x1xi32>
      %gather3A_454 = vector.shape_cast %broadcast_in_dim3A_453 : vector<16x1xi32> to vector<16xi32>
      %gather3A_455 = tpu.dynamic_gather %add3A_449[%gather3A_454] in [0] : vector<16xf32>, vector<16xi32> -> vector<16xf32>
      %add3A_456 = arith.addf %add3A_449, %gather3A_455 : vector<16xf32>
      %xor3A_457 = arith.constant 4 : i32
      %xor3A_458 = vector.broadcast %xor3A_457 : i32 to vector<16xi32>
      %xor3A_459 = arith.xori %iota3A, %xor3A_458 : vector<16xi32>
      %broadcast_in_dim3A_460 = vector.shape_cast %xor3A_459 : vector<16xi32> to vector<16x1xi32>
      %gather3A_461 = vector.shape_cast %broadcast_in_dim3A_460 : vector<16x1xi32> to vector<16xi32>
      %gather3A_462 = tpu.dynamic_gather %add3A_456[%gather3A_461] in [0] : vector<16xf32>, vector<16xi32> -> vector<16xf32>
      %add3A_463 = arith.addf %add3A_456, %gather3A_462 : vector<16xf32>
      %xor3A_464 = arith.constant 8 : i32
      %xor3A_465 = vector.broadcast %xor3A_464 : i32 to vector<16xi32>
      %xor3A_466 = arith.xori %iota3A, %xor3A_465 : vector<16xi32>
      %broadcast_in_dim3A_467 = vector.shape_cast %xor3A_466 : vector<16xi32> to vector<16x1xi32>
      %gather3A_468 = vector.shape_cast %broadcast_in_dim3A_467 : vector<16x1xi32> to vector<16xi32>
      %gather3A_469 = tpu.dynamic_gather %add3A_463[%gather3A_468] in [0] : vector<16xf32>, vector<16xi32> -> vector<16xf32>
      %add3A_470 = arith.addf %add3A_463, %gather3A_469 : vector<16xf32>
      %eq3A_471 = arith.constant 1 : i32
      %eq3A_472 = vector.broadcast %eq3A_471 : i32 to vector<16xi32>
      %eq3A_473 = arith.cmpi eq, %iota3A, %eq3A_472 : vector<16xi32>
      %add3A_474 = arith.addf %select_n3A, %add3A_470 : vector<16xf32>
      %select_n3A_475 = arith.select %eq3A_473, %add3A_474, %select_n3A : vector<16xi1>, vector<16xf32>
      %add3A_476 = arith.constant 2 : i32
      %add3A_477 = arith.addi %mul3A_298, %add3A_476 : i32
      %get3A_478 = arith.index_cast %add3A_477 : i32 to index
      %get3A_479 = arith.constant 0 : index
      %get3A_480 = tpu.vector_load %arg11[%get3A_478, %get3A_479] {strides = array<i32>} : memref<512x64xf32, #tpu.memory_space<vmem>>, vector<1x16xf32>,
      %get3A_481 = vector.shape_cast %get3A_480 : vector<1x16xf32> to vector<16xf32>
      %add3A_482 = arith.constant 2 : i32
      %add3A_483 = arith.addi %mul3A_298, %add3A_482 : i32
      %get3A_484 = arith.index_cast %add3A_483 : i32 to index
      %get3A_485 = arith.constant 0 : index
      %get3A_486 = tpu.vector_load %arg12[%get3A_484, %get3A_485] {strides = array<i32>} : memref<512x64xf32, #tpu.memory_space<vmem>>, vector<1x16xf32>,
      %get3A_487 = vector.shape_cast %get3A_486 : vector<1x16xf32> to vector<16xf32>
      %mul3A_488 = arith.mulf %get3A_481, %get3A_487 : vector<16xf32>
      %add3A_489 = arith.constant 2 : i32
      %add3A_490 = arith.addi %mul3A_298, %add3A_489 : i32
      %get3A_491 = arith.index_cast %add3A_490 : i32 to index
      %get3A_492 = arith.constant 16 : index
      %get3A_493 = tpu.vector_load %arg11[%get3A_491, %get3A_492] {strides = array<i32>} : memref<512x64xf32, #tpu.memory_space<vmem>>, vector<1x16xf32>,
      %get3A_494 = vector.shape_cast %get3A_493 : vector<1x16xf32> to vector<16xf32>
      %add3A_495 = arith.constant 2 : i32
      %add3A_496 = arith.addi %mul3A_298, %add3A_495 : i32
      %get3A_497 = arith.index_cast %add3A_496 : i32 to index
      %get3A_498 = arith.constant 16 : index
      %get3A_499 = tpu.vector_load %arg12[%get3A_497, %get3A_498] {strides = array<i32>} : memref<512x64xf32, #tpu.memory_space<vmem>>, vector<1x16xf32>,
      %get3A_500 = vector.shape_cast %get3A_499 : vector<1x16xf32> to vector<16xf32>
      %mul3A_501 = arith.mulf %get3A_494, %get3A_500 : vector<16xf32>
      %add3A_502 = arith.addf %mul3A_488, %mul3A_501 : vector<16xf32>
      %add3A_503 = arith.constant 2 : i32
      %add3A_504 = arith.addi %mul3A_298, %add3A_503 : i32
      %get3A_505 = arith.index_cast %add3A_504 : i32 to index
      %get3A_506 = arith.constant 32 : index
      %get3A_507 = tpu.vector_load %arg11[%get3A_505, %get3A_506] {strides = array<i32>} : memref<512x64xf32, #tpu.memory_space<vmem>>, vector<1x16xf32>,
      %get3A_508 = vector.shape_cast %get3A_507 : vector<1x16xf32> to vector<16xf32>
      %add3A_509 = arith.constant 2 : i32
      %add3A_510 = arith.addi %mul3A_298, %add3A_509 : i32
      %get3A_511 = arith.index_cast %add3A_510 : i32 to index
      %get3A_512 = arith.constant 32 : index
      %get3A_513 = tpu.vector_load %arg12[%get3A_511, %get3A_512] {strides = array<i32>} : memref<512x64xf32, #tpu.memory_space<vmem>>, vector<1x16xf32>,
      %get3A_514 = vector.shape_cast %get3A_513 : vector<1x16xf32> to vector<16xf32>
      %mul3A_515 = arith.mulf %get3A_508, %get3A_514 : vector<16xf32>
      %add3A_516 = arith.addf %add3A_502, %mul3A_515 : vector<16xf32>
      %add3A_517 = arith.constant 2 : i32
      %add3A_518 = arith.addi %mul3A_298, %add3A_517 : i32
      %get3A_519 = arith.index_cast %add3A_518 : i32 to index
      %get3A_520 = arith.constant 48 : index
      %get3A_521 = tpu.vector_load %arg11[%get3A_519, %get3A_520] {strides = array<i32>} : memref<512x64xf32, #tpu.memory_space<vmem>>, vector<1x16xf32>,
      %get3A_522 = vector.shape_cast %get3A_521 : vector<1x16xf32> to vector<16xf32>
      %add3A_523 = arith.constant 2 : i32
      %add3A_524 = arith.addi %mul3A_298, %add3A_523 : i32
      %get3A_525 = arith.index_cast %add3A_524 : i32 to index
      %get3A_526 = arith.constant 48 : index
      %get3A_527 = tpu.vector_load %arg12[%get3A_525, %get3A_526] {strides = array<i32>} : memref<512x64xf32, #tpu.memory_space<vmem>>, vector<1x16xf32>,
      %get3A_528 = vector.shape_cast %get3A_527 : vector<1x16xf32> to vector<16xf32>
      %mul3A_529 = arith.mulf %get3A_522, %get3A_528 : vector<16xf32>
      %add3A_530 = arith.addf %add3A_516, %mul3A_529 : vector<16xf32>
      %xor3A_531 = arith.constant 1 : i32
      %xor3A_532 = vector.broadcast %xor3A_531 : i32 to vector<16xi32>
      %xor3A_533 = arith.xori %iota3A, %xor3A_532 : vector<16xi32>
      %broadcast_in_dim3A_534 = vector.shape_cast %xor3A_533 : vector<16xi32> to vector<16x1xi32>
      %gather3A_535 = vector.shape_cast %broadcast_in_dim3A_534 : vector<16x1xi32> to vector<16xi32>
      %gather3A_536 = tpu.dynamic_gather %add3A_530[%gather3A_535] in [0] : vector<16xf32>, vector<16xi32> -> vector<16xf32>
      %add3A_537 = arith.addf %add3A_530, %gather3A_536 : vector<16xf32>
      %xor3A_538 = arith.constant 2 : i32
      %xor3A_539 = vector.broadcast %xor3A_538 : i32 to vector<16xi32>
      %xor3A_540 = arith.xori %iota3A, %xor3A_539 : vector<16xi32>
      %broadcast_in_dim3A_541 = vector.shape_cast %xor3A_540 : vector<16xi32> to vector<16x1xi32>
      %gather3A_542 = vector.shape_cast %broadcast_in_dim3A_541 : vector<16x1xi32> to vector<16xi32>
      %gather3A_543 = tpu.dynamic_gather %add3A_537[%gather3A_542] in [0] : vector<16xf32>, vector<16xi32> -> vector<16xf32>
      %add3A_544 = arith.addf %add3A_537, %gather3A_543 : vector<16xf32>
      %xor3A_545 = arith.constant 4 : i32
      %xor3A_546 = vector.broadcast %xor3A_545 : i32 to vector<16xi32>
      %xor3A_547 = arith.xori %iota3A, %xor3A_546 : vector<16xi32>
      %broadcast_in_dim3A_548 = vector.shape_cast %xor3A_547 : vector<16xi32> to vector<16x1xi32>
      %gather3A_549 = vector.shape_cast %broadcast_in_dim3A_548 : vector<16x1xi32> to vector<16xi32>
      %gather3A_550 = tpu.dynamic_gather %add3A_544[%gather3A_549] in [0] : vector<16xf32>, vector<16xi32> -> vector<16xf32>
      %add3A_551 = arith.addf %add3A_544, %gather3A_550 : vector<16xf32>
      %xor3A_552 = arith.constant 8 : i32
      %xor3A_553 = vector.broadcast %xor3A_552 : i32 to vector<16xi32>
      %xor3A_554 = arith.xori %iota3A, %xor3A_553 : vector<16xi32>
      %broadcast_in_dim3A_555 = vector.shape_cast %xor3A_554 : vector<16xi32> to vector<16x1xi32>
      %gather3A_556 = vector.shape_cast %broadcast_in_dim3A_555 : vector<16x1xi32> to vector<16xi32>
      %gather3A_557 = tpu.dynamic_gather %add3A_551[%gather3A_556] in [0] : vector<16xf32>, vector<16xi32> -> vector<16xf32>
      %add3A_558 = arith.addf %add3A_551, %gather3A_557 : vector<16xf32>
      %eq3A_559 = arith.constant 2 : i32
      %eq3A_560 = vector.broadcast %eq3A_559 : i32 to vector<16xi32>
      %eq3A_561 = arith.cmpi eq, %iota3A, %eq3A_560 : vector<16xi32>
      %add3A_562 = arith.addf %select_n3A_475, %add3A_558 : vector<16xf32>
      %select_n3A_563 = arith.select %eq3A_561, %add3A_562, %select_n3A_475 : vector<16xi1>, vector<16xf32>
      %add3A_564 = arith.constant 3 : i32
      %add3A_565 = arith.addi %mul3A_298, %add3A_564 : i32
      %get3A_566 = arith.index_cast %add3A_565 : i32 to index
      %get3A_567 = arith.constant 0 : index
      %get3A_568 = tpu.vector_load %arg11[%get3A_566, %get3A_567] {strides = array<i32>} : memref<512x64xf32, #tpu.memory_space<vmem>>, vector<1x16xf32>,
      %get3A_569 = vector.shape_cast %get3A_568 : vector<1x16xf32> to vector<16xf32>
      %add3A_570 = arith.constant 3 : i32
      %add3A_571 = arith.addi %mul3A_298, %add3A_570 : i32
      %get3A_572 = arith.index_cast %add3A_571 : i32 to index
      %get3A_573 = arith.constant 0 : index
      %get3A_574 = tpu.vector_load %arg12[%get3A_572, %get3A_573] {strides = array<i32>} : memref<512x64xf32, #tpu.memory_space<vmem>>, vector<1x16xf32>,
      %get3A_575 = vector.shape_cast %get3A_574 : vector<1x16xf32> to vector<16xf32>
      %mul3A_576 = arith.mulf %get3A_569, %get3A_575 : vector<16xf32>
      %add3A_577 = arith.constant 3 : i32
      %add3A_578 = arith.addi %mul3A_298, %add3A_577 : i32
      %get3A_579 = arith.index_cast %add3A_578 : i32 to index
      %get3A_580 = arith.constant 16 : index
      %get3A_581 = tpu.vector_load %arg11[%get3A_579, %get3A_580] {strides = array<i32>} : memref<512x64xf32, #tpu.memory_space<vmem>>, vector<1x16xf32>,
      %get3A_582 = vector.shape_cast %get3A_581 : vector<1x16xf32> to vector<16xf32>
      %add3A_583 = arith.constant 3 : i32
      %add3A_584 = arith.addi %mul3A_298, %add3A_583 : i32
      %get3A_585 = arith.index_cast %add3A_584 : i32 to index
      %get3A_586 = arith.constant 16 : index
      %get3A_587 = tpu.vector_load %arg12[%get3A_585, %get3A_586] {strides = array<i32>} : memref<512x64xf32, #tpu.memory_space<vmem>>, vector<1x16xf32>,
      %get3A_588 = vector.shape_cast %get3A_587 : vector<1x16xf32> to vector<16xf32>
      %mul3A_589 = arith.mulf %get3A_582, %get3A_588 : vector<16xf32>
      %add3A_590 = arith.addf %mul3A_576, %mul3A_589 : vector<16xf32>
      %add3A_591 = arith.constant 3 : i32
      %add3A_592 = arith.addi %mul3A_298, %add3A_591 : i32
      %get3A_593 = arith.index_cast %add3A_592 : i32 to index
      %get3A_594 = arith.constant 32 : index
      %get3A_595 = tpu.vector_load %arg11[%get3A_593, %get3A_594] {strides = array<i32>} : memref<512x64xf32, #tpu.memory_space<vmem>>, vector<1x16xf32>,
      %get3A_596 = vector.shape_cast %get3A_595 : vector<1x16xf32> to vector<16xf32>
      %add3A_597 = arith.constant 3 : i32
      %add3A_598 = arith.addi %mul3A_298, %add3A_597 : i32
      %get3A_599 = arith.index_cast %add3A_598 : i32 to index
      %get3A_600 = arith.constant 32 : index
      %get3A_601 = tpu.vector_load %arg12[%get3A_599, %get3A_600] {strides = array<i32>} : memref<512x64xf32, #tpu.memory_space<vmem>>, vector<1x16xf32>,
      %get3A_602 = vector.shape_cast %get3A_601 : vector<1x16xf32> to vector<16xf32>
      %mul3A_603 = arith.mulf %get3A_596, %get3A_602 : vector<16xf32>
      %add3A_604 = arith.addf %add3A_590, %mul3A_603 : vector<16xf32>
      %add3A_605 = arith.constant 3 : i32
      %add3A_606 = arith.addi %mul3A_298, %add3A_605 : i32
      %get3A_607 = arith.index_cast %add3A_606 : i32 to index
      %get3A_608 = arith.constant 48 : index
      %get3A_609 = tpu.vector_load %arg11[%get3A_607, %get3A_608] {strides = array<i32>} : memref<512x64xf32, #tpu.memory_space<vmem>>, vector<1x16xf32>,
      %get3A_610 = vector.shape_cast %get3A_609 : vector<1x16xf32> to vector<16xf32>
      %add3A_611 = arith.constant 3 : i32
      %add3A_612 = arith.addi %mul3A_298, %add3A_611 : i32
      %get3A_613 = arith.index_cast %add3A_612 : i32 to index
      %get3A_614 = arith.constant 48 : index
      %get3A_615 = tpu.vector_load %arg12[%get3A_613, %get3A_614] {strides = array<i32>} : memref<512x64xf32, #tpu.memory_space<vmem>>, vector<1x16xf32>,
      %get3A_616 = vector.shape_cast %get3A_615 : vector<1x16xf32> to vector<16xf32>
      %mul3A_617 = arith.mulf %get3A_610, %get3A_616 : vector<16xf32>
      %add3A_618 = arith.addf %add3A_604, %mul3A_617 : vector<16xf32>
      %xor3A_619 = arith.constant 1 : i32
      %xor3A_620 = vector.broadcast %xor3A_619 : i32 to vector<16xi32>
      %xor3A_621 = arith.xori %iota3A, %xor3A_620 : vector<16xi32>
      %broadcast_in_dim3A_622 = vector.shape_cast %xor3A_621 : vector<16xi32> to vector<16x1xi32>
      %gather3A_623 = vector.shape_cast %broadcast_in_dim3A_622 : vector<16x1xi32> to vector<16xi32>
      %gather3A_624 = tpu.dynamic_gather %add3A_618[%gather3A_623] in [0] : vector<16xf32>, vector<16xi32> -> vector<16xf32>
      %add3A_625 = arith.addf %add3A_618, %gather3A_624 : vector<16xf32>
      %xor3A_626 = arith.constant 2 : i32
      %xor3A_627 = vector.broadcast %xor3A_626 : i32 to vector<16xi32>
      %xor3A_628 = arith.xori %iota3A, %xor3A_627 : vector<16xi32>
      %broadcast_in_dim3A_629 = vector.shape_cast %xor3A_628 : vector<16xi32> to vector<16x1xi32>
      %gather3A_630 = vector.shape_cast %broadcast_in_dim3A_629 : vector<16x1xi32> to vector<16xi32>
      %gather3A_631 = tpu.dynamic_gather %add3A_625[%gather3A_630] in [0] : vector<16xf32>, vector<16xi32> -> vector<16xf32>
      %add3A_632 = arith.addf %add3A_625, %gather3A_631 : vector<16xf32>
      %xor3A_633 = arith.constant 4 : i32
      %xor3A_634 = vector.broadcast %xor3A_633 : i32 to vector<16xi32>
      %xor3A_635 = arith.xori %iota3A, %xor3A_634 : vector<16xi32>
      %broadcast_in_dim3A_636 = vector.shape_cast %xor3A_635 : vector<16xi32> to vector<16x1xi32>
      %gather3A_637 = vector.shape_cast %broadcast_in_dim3A_636 : vector<16x1xi32> to vector<16xi32>
      %gather3A_638 = tpu.dynamic_gather %add3A_632[%gather3A_637] in [0] : vector<16xf32>, vector<16xi32> -> vector<16xf32>
      %add3A_639 = arith.addf %add3A_632, %gather3A_638 : vector<16xf32>
      %xor3A_640 = arith.constant 8 : i32
      %xor3A_641 = vector.broadcast %xor3A_640 : i32 to vector<16xi32>
      %xor3A_642 = arith.xori %iota3A, %xor3A_641 : vector<16xi32>
      %broadcast_in_dim3A_643 = vector.shape_cast %xor3A_642 : vector<16xi32> to vector<16x1xi32>
      %gather3A_644 = vector.shape_cast %broadcast_in_dim3A_643 : vector<16x1xi32> to vector<16xi32>
      %gather3A_645 = tpu.dynamic_gather %add3A_639[%gather3A_644] in [0] : vector<16xf32>, vector<16xi32> -> vector<16xf32>
      %add3A_646 = arith.addf %add3A_639, %gather3A_645 : vector<16xf32>
      %eq3A_647 = arith.constant 3 : i32
      %eq3A_648 = vector.broadcast %eq3A_647 : i32 to vector<16xi32>
      %eq3A_649 = arith.cmpi eq, %iota3A, %eq3A_648 : vector<16xi32>
      %add3A_650 = arith.addf %select_n3A_563, %add3A_646 : vector<16xf32>
      %select_n3A_651 = arith.select %eq3A_649, %add3A_650, %select_n3A_563 : vector<16xi1>, vector<16xf32>
      %add3A_652 = arith.constant 4 : i32
      %add3A_653 = arith.addi %mul3A_298, %add3A_652 : i32
      %get3A_654 = arith.index_cast %add3A_653 : i32 to index
      %get3A_655 = arith.constant 0 : index
      %get3A_656 = tpu.vector_load %arg11[%get3A_654, %get3A_655] {strides = array<i32>} : memref<512x64xf32, #tpu.memory_space<vmem>>, vector<1x16xf32>,
      %get3A_657 = vector.shape_cast %get3A_656 : vector<1x16xf32> to vector<16xf32>
      %add3A_658 = arith.constant 4 : i32
      %add3A_659 = arith.addi %mul3A_298, %add3A_658 : i32
      %get3A_660 = arith.index_cast %add3A_659 : i32 to index
      %get3A_661 = arith.constant 0 : index
      %get3A_662 = tpu.vector_load %arg12[%get3A_660, %get3A_661] {strides = array<i32>} : memref<512x64xf32, #tpu.memory_space<vmem>>, vector<1x16xf32>,
      %get3A_663 = vector.shape_cast %get3A_662 : vector<1x16xf32> to vector<16xf32>
      %mul3A_664 = arith.mulf %get3A_657, %get3A_663 : vector<16xf32>
      %add3A_665 = arith.constant 4 : i32
      %add3A_666 = arith.addi %mul3A_298, %add3A_665 : i32
      %get3A_667 = arith.index_cast %add3A_666 : i32 to index
      %get3A_668 = arith.constant 16 : index
      %get3A_669 = tpu.vector_load %arg11[%get3A_667, %get3A_668] {strides = array<i32>} : memref<512x64xf32, #tpu.memory_space<vmem>>, vector<1x16xf32>,
      %get3A_670 = vector.shape_cast %get3A_669 : vector<1x16xf32> to vector<16xf32>
      %add3A_671 = arith.constant 4 : i32
      %add3A_672 = arith.addi %mul3A_298, %add3A_671 : i32
      %get3A_673 = arith.index_cast %add3A_672 : i32 to index
      %get3A_674 = arith.constant 16 : index
      %get3A_675 = tpu.vector_load %arg12[%get3A_673, %get3A_674] {strides = array<i32>} : memref<512x64xf32, #tpu.memory_space<vmem>>, vector<1x16xf32>,
      %get3A_676 = vector.shape_cast %get3A_675 : vector<1x16xf32> to vector<16xf32>
      %mul3A_677 = arith.mulf %get3A_670, %get3A_676 : vector<16xf32>
      %add3A_678 = arith.addf %mul3A_664, %mul3A_677 : vector<16xf32>
      %add3A_679 = arith.constant 4 : i32
      %add3A_680 = arith.addi %mul3A_298, %add3A_679 : i32
      %get3A_681 = arith.index_cast %add3A_680 : i32 to index
      %get3A_682 = arith.constant 32 : index
      %get3A_683 = tpu.vector_load %arg11[%get3A_681, %get3A_682] {strides = array<i32>} : memref<512x64xf32, #tpu.memory_space<vmem>>, vector<1x16xf32>,
      %get3A_684 = vector.shape_cast %get3A_683 : vector<1x16xf32> to vector<16xf32>
      %add3A_685 = arith.constant 4 : i32
      %add3A_686 = arith.addi %mul3A_298, %add3A_685 : i32
      %get3A_687 = arith.index_cast %add3A_686 : i32 to index
      %get3A_688 = arith.constant 32 : index
      %get3A_689 = tpu.vector_load %arg12[%get3A_687, %get3A_688] {strides = array<i32>} : memref<512x64xf32, #tpu.memory_space<vmem>>, vector<1x16xf32>,
      %get3A_690 = vector.shape_cast %get3A_689 : vector<1x16xf32> to vector<16xf32>
      %mul3A_691 = arith.mulf %get3A_684, %get3A_690 : vector<16xf32>
      %add3A_692 = arith.addf %add3A_678, %mul3A_691 : vector<16xf32>
      %add3A_693 = arith.constant 4 : i32
      %add3A_694 = arith.addi %mul3A_298, %add3A_693 : i32
      %get3A_695 = arith.index_cast %add3A_694 : i32 to index
      %get3A_696 = arith.constant 48 : index
      %get3A_697 = tpu.vector_load %arg11[%get3A_695, %get3A_696] {strides = array<i32>} : memref<512x64xf32, #tpu.memory_space<vmem>>, vector<1x16xf32>,
      %get3A_698 = vector.shape_cast %get3A_697 : vector<1x16xf32> to vector<16xf32>
      %add3A_699 = arith.constant 4 : i32
      %add3A_700 = arith.addi %mul3A_298, %add3A_699 : i32
      %get3A_701 = arith.index_cast %add3A_700 : i32 to index
      %get3A_702 = arith.constant 48 : index
      %get3A_703 = tpu.vector_load %arg12[%get3A_701, %get3A_702] {strides = array<i32>} : memref<512x64xf32, #tpu.memory_space<vmem>>, vector<1x16xf32>,
      %get3A_704 = vector.shape_cast %get3A_703 : vector<1x16xf32> to vector<16xf32>
      %mul3A_705 = arith.mulf %get3A_698, %get3A_704 : vector<16xf32>
      %add3A_706 = arith.addf %add3A_692, %mul3A_705 : vector<16xf32>
      %xor3A_707 = arith.constant 1 : i32
      %xor3A_708 = vector.broadcast %xor3A_707 : i32 to vector<16xi32>
      %xor3A_709 = arith.xori %iota3A, %xor3A_708 : vector<16xi32>
      %broadcast_in_dim3A_710 = vector.shape_cast %xor3A_709 : vector<16xi32> to vector<16x1xi32>
      %gather3A_711 = vector.shape_cast %broadcast_in_dim3A_710 : vector<16x1xi32> to vector<16xi32>
      %gather3A_712 = tpu.dynamic_gather %add3A_706[%gather3A_711] in [0] : vector<16xf32>, vector<16xi32> -> vector<16xf32>
      %add3A_713 = arith.addf %add3A_706, %gather3A_712 : vector<16xf32>
      %xor3A_714 = arith.constant 2 : i32
      %xor3A_715 = vector.broadcast %xor3A_714 : i32 to vector<16xi32>
      %xor3A_716 = arith.xori %iota3A, %xor3A_715 : vector<16xi32>
      %broadcast_in_dim3A_717 = vector.shape_cast %xor3A_716 : vector<16xi32> to vector<16x1xi32>
      %gather3A_718 = vector.shape_cast %broadcast_in_dim3A_717 : vector<16x1xi32> to vector<16xi32>
      %gather3A_719 = tpu.dynamic_gather %add3A_713[%gather3A_718] in [0] : vector<16xf32>, vector<16xi32> -> vector<16xf32>
      %add3A_720 = arith.addf %add3A_713, %gather3A_719 : vector<16xf32>
      %xor3A_721 = arith.constant 4 : i32
      %xor3A_722 = vector.broadcast %xor3A_721 : i32 to vector<16xi32>
      %xor3A_723 = arith.xori %iota3A, %xor3A_722 : vector<16xi32>
      %broadcast_in_dim3A_724 = vector.shape_cast %xor3A_723 : vector<16xi32> to vector<16x1xi32>
      %gather3A_725 = vector.shape_cast %broadcast_in_dim3A_724 : vector<16x1xi32> to vector<16xi32>
      %gather3A_726 = tpu.dynamic_gather %add3A_720[%gather3A_725] in [0] : vector<16xf32>, vector<16xi32> -> vector<16xf32>
      %add3A_727 = arith.addf %add3A_720, %gather3A_726 : vector<16xf32>
      %xor3A_728 = arith.constant 8 : i32
      %xor3A_729 = vector.broadcast %xor3A_728 : i32 to vector<16xi32>
      %xor3A_730 = arith.xori %iota3A, %xor3A_729 : vector<16xi32>
      %broadcast_in_dim3A_731 = vector.shape_cast %xor3A_730 : vector<16xi32> to vector<16x1xi32>
      %gather3A_732 = vector.shape_cast %broadcast_in_dim3A_731 : vector<16x1xi32> to vector<16xi32>
      %gather3A_733 = tpu.dynamic_gather %add3A_727[%gather3A_732] in [0] : vector<16xf32>, vector<16xi32> -> vector<16xf32>
      %add3A_734 = arith.addf %add3A_727, %gather3A_733 : vector<16xf32>
      %eq3A_735 = arith.constant 4 : i32
      %eq3A_736 = vector.broadcast %eq3A_735 : i32 to vector<16xi32>
      %eq3A_737 = arith.cmpi eq, %iota3A, %eq3A_736 : vector<16xi32>
      %add3A_738 = arith.addf %select_n3A_651, %add3A_734 : vector<16xf32>
      %select_n3A_739 = arith.select %eq3A_737, %add3A_738, %select_n3A_651 : vector<16xi1>, vector<16xf32>
      %add3A_740 = arith.constant 5 : i32
      %add3A_741 = arith.addi %mul3A_298, %add3A_740 : i32
      %get3A_742 = arith.index_cast %add3A_741 : i32 to index
      %get3A_743 = arith.constant 0 : index
      %get3A_744 = tpu.vector_load %arg11[%get3A_742, %get3A_743] {strides = array<i32>} : memref<512x64xf32, #tpu.memory_space<vmem>>, vector<1x16xf32>,
      %get3A_745 = vector.shape_cast %get3A_744 : vector<1x16xf32> to vector<16xf32>
      %add3A_746 = arith.constant 5 : i32
      %add3A_747 = arith.addi %mul3A_298, %add3A_746 : i32
      %get3A_748 = arith.index_cast %add3A_747 : i32 to index
      %get3A_749 = arith.constant 0 : index
      %get3A_750 = tpu.vector_load %arg12[%get3A_748, %get3A_749] {strides = array<i32>} : memref<512x64xf32, #tpu.memory_space<vmem>>, vector<1x16xf32>,
      %get3A_751 = vector.shape_cast %get3A_750 : vector<1x16xf32> to vector<16xf32>
      %mul3A_752 = arith.mulf %get3A_745, %get3A_751 : vector<16xf32>
      %add3A_753 = arith.constant 5 : i32
      %add3A_754 = arith.addi %mul3A_298, %add3A_753 : i32
      %get3A_755 = arith.index_cast %add3A_754 : i32 to index
      %get3A_756 = arith.constant 16 : index
      %get3A_757 = tpu.vector_load %arg11[%get3A_755, %get3A_756] {strides = array<i32>} : memref<512x64xf32, #tpu.memory_space<vmem>>, vector<1x16xf32>,
      %get3A_758 = vector.shape_cast %get3A_757 : vector<1x16xf32> to vector<16xf32>
      %add3A_759 = arith.constant 5 : i32
      %add3A_760 = arith.addi %mul3A_298, %add3A_759 : i32
      %get3A_761 = arith.index_cast %add3A_760 : i32 to index
      %get3A_762 = arith.constant 16 : index
      %get3A_763 = tpu.vector_load %arg12[%get3A_761, %get3A_762] {strides = array<i32>} : memref<512x64xf32, #tpu.memory_space<vmem>>, vector<1x16xf32>,
      %get3A_764 = vector.shape_cast %get3A_763 : vector<1x16xf32> to vector<16xf32>
      %mul3A_765 = arith.mulf %get3A_758, %get3A_764 : vector<16xf32>
      %add3A_766 = arith.addf %mul3A_752, %mul3A_765 : vector<16xf32>
      %add3A_767 = arith.constant 5 : i32
      %add3A_768 = arith.addi %mul3A_298, %add3A_767 : i32
      %get3A_769 = arith.index_cast %add3A_768 : i32 to index
      %get3A_770 = arith.constant 32 : index
      %get3A_771 = tpu.vector_load %arg11[%get3A_769, %get3A_770] {strides = array<i32>} : memref<512x64xf32, #tpu.memory_space<vmem>>, vector<1x16xf32>,
      %get3A_772 = vector.shape_cast %get3A_771 : vector<1x16xf32> to vector<16xf32>
      %add3A_773 = arith.constant 5 : i32
      %add3A_774 = arith.addi %mul3A_298, %add3A_773 : i32
      %get3A_775 = arith.index_cast %add3A_774 : i32 to index
      %get3A_776 = arith.constant 32 : index
      %get3A_777 = tpu.vector_load %arg12[%get3A_775, %get3A_776] {strides = array<i32>} : memref<512x64xf32, #tpu.memory_space<vmem>>, vector<1x16xf32>,
      %get3A_778 = vector.shape_cast %get3A_777 : vector<1x16xf32> to vector<16xf32>
      %mul3A_779 = arith.mulf %get3A_772, %get3A_778 : vector<16xf32>
      %add3A_780 = arith.addf %add3A_766, %mul3A_779 : vector<16xf32>
      %add3A_781 = arith.constant 5 : i32
      %add3A_782 = arith.addi %mul3A_298, %add3A_781 : i32
      %get3A_783 = arith.index_cast %add3A_782 : i32 to index
      %get3A_784 = arith.constant 48 : index
      %get3A_785 = tpu.vector_load %arg11[%get3A_783, %get3A_784] {strides = array<i32>} : memref<512x64xf32, #tpu.memory_space<vmem>>, vector<1x16xf32>,
      %get3A_786 = vector.shape_cast %get3A_785 : vector<1x16xf32> to vector<16xf32>
      %add3A_787 = arith.constant 5 : i32
      %add3A_788 = arith.addi %mul3A_298, %add3A_787 : i32
      %get3A_789 = arith.index_cast %add3A_788 : i32 to index
      %get3A_790 = arith.constant 48 : index
      %get3A_791 = tpu.vector_load %arg12[%get3A_789, %get3A_790] {strides = array<i32>} : memref<512x64xf32, #tpu.memory_space<vmem>>, vector<1x16xf32>,
      %get3A_792 = vector.shape_cast %get3A_791 : vector<1x16xf32> to vector<16xf32>
      %mul3A_793 = arith.mulf %get3A_786, %get3A_792 : vector<16xf32>
      %add3A_794 = arith.addf %add3A_780, %mul3A_793 : vector<16xf32>
      %xor3A_795 = arith.constant 1 : i32
      %xor3A_796 = vector.broadcast %xor3A_795 : i32 to vector<16xi32>
      %xor3A_797 = arith.xori %iota3A, %xor3A_796 : vector<16xi32>
      %broadcast_in_dim3A_798 = vector.shape_cast %xor3A_797 : vector<16xi32> to vector<16x1xi32>
      %gather3A_799 = vector.shape_cast %broadcast_in_dim3A_798 : vector<16x1xi32> to vector<16xi32>
      %gather3A_800 = tpu.dynamic_gather %add3A_794[%gather3A_799] in [0] : vector<16xf32>, vector<16xi32> -> vector<16xf32>
      %add3A_801 = arith.addf %add3A_794, %gather3A_800 : vector<16xf32>
      %xor3A_802 = arith.constant 2 : i32
      %xor3A_803 = vector.broadcast %xor3A_802 : i32 to vector<16xi32>
      %xor3A_804 = arith.xori %iota3A, %xor3A_803 : vector<16xi32>
      %broadcast_in_dim3A_805 = vector.shape_cast %xor3A_804 : vector<16xi32> to vector<16x1xi32>
      %gather3A_806 = vector.shape_cast %broadcast_in_dim3A_805 : vector<16x1xi32> to vector<16xi32>
      %gather3A_807 = tpu.dynamic_gather %add3A_801[%gather3A_806] in [0] : vector<16xf32>, vector<16xi32> -> vector<16xf32>
      %add3A_808 = arith.addf %add3A_801, %gather3A_807 : vector<16xf32>
      %xor3A_809 = arith.constant 4 : i32
      %xor3A_810 = vector.broadcast %xor3A_809 : i32 to vector<16xi32>
      %xor3A_811 = arith.xori %iota3A, %xor3A_810 : vector<16xi32>
      %broadcast_in_dim3A_812 = vector.shape_cast %xor3A_811 : vector<16xi32> to vector<16x1xi32>
      %gather3A_813 = vector.shape_cast %broadcast_in_dim3A_812 : vector<16x1xi32> to vector<16xi32>
      %gather3A_814 = tpu.dynamic_gather %add3A_808[%gather3A_813] in [0] : vector<16xf32>, vector<16xi32> -> vector<16xf32>
      %add3A_815 = arith.addf %add3A_808, %gather3A_814 : vector<16xf32>
      %xor3A_816 = arith.constant 8 : i32
      %xor3A_817 = vector.broadcast %xor3A_816 : i32 to vector<16xi32>
      %xor3A_818 = arith.xori %iota3A, %xor3A_817 : vector<16xi32>
      %broadcast_in_dim3A_819 = vector.shape_cast %xor3A_818 : vector<16xi32> to vector<16x1xi32>
      %gather3A_820 = vector.shape_cast %broadcast_in_dim3A_819 : vector<16x1xi32> to vector<16xi32>
      %gather3A_821 = tpu.dynamic_gather %add3A_815[%gather3A_820] in [0] : vector<16xf32>, vector<16xi32> -> vector<16xf32>
      %add3A_822 = arith.addf %add3A_815, %gather3A_821 : vector<16xf32>
      %eq3A_823 = arith.constant 5 : i32
      %eq3A_824 = vector.broadcast %eq3A_823 : i32 to vector<16xi32>
      %eq3A_825 = arith.cmpi eq, %iota3A, %eq3A_824 : vector<16xi32>
      %add3A_826 = arith.addf %select_n3A_739, %add3A_822 : vector<16xf32>
      %select_n3A_827 = arith.select %eq3A_825, %add3A_826, %select_n3A_739 : vector<16xi1>, vector<16xf32>
      %add3A_828 = arith.constant 6 : i32
      %add3A_829 = arith.addi %mul3A_298, %add3A_828 : i32
      %get3A_830 = arith.index_cast %add3A_829 : i32 to index
      %get3A_831 = arith.constant 0 : index
      %get3A_832 = tpu.vector_load %arg11[%get3A_830, %get3A_831] {strides = array<i32>} : memref<512x64xf32, #tpu.memory_space<vmem>>, vector<1x16xf32>,
      %get3A_833 = vector.shape_cast %get3A_832 : vector<1x16xf32> to vector<16xf32>
      %add3A_834 = arith.constant 6 : i32
      %add3A_835 = arith.addi %mul3A_298, %add3A_834 : i32
      %get3A_836 = arith.index_cast %add3A_835 : i32 to index
      %get3A_837 = arith.constant 0 : index
      %get3A_838 = tpu.vector_load %arg12[%get3A_836, %get3A_837] {strides = array<i32>} : memref<512x64xf32, #tpu.memory_space<vmem>>, vector<1x16xf32>,
      %get3A_839 = vector.shape_cast %get3A_838 : vector<1x16xf32> to vector<16xf32>
      %mul3A_840 = arith.mulf %get3A_833, %get3A_839 : vector<16xf32>
      %add3A_841 = arith.constant 6 : i32
      %add3A_842 = arith.addi %mul3A_298, %add3A_841 : i32
      %get3A_843 = arith.index_cast %add3A_842 : i32 to index
      %get3A_844 = arith.constant 16 : index
      %get3A_845 = tpu.vector_load %arg11[%get3A_843, %get3A_844] {strides = array<i32>} : memref<512x64xf32, #tpu.memory_space<vmem>>, vector<1x16xf32>,
      %get3A_846 = vector.shape_cast %get3A_845 : vector<1x16xf32> to vector<16xf32>
      %add3A_847 = arith.constant 6 : i32
      %add3A_848 = arith.addi %mul3A_298, %add3A_847 : i32
      %get3A_849 = arith.index_cast %add3A_848 : i32 to index
      %get3A_850 = arith.constant 16 : index
      %get3A_851 = tpu.vector_load %arg12[%get3A_849, %get3A_850] {strides = array<i32>} : memref<512x64xf32, #tpu.memory_space<vmem>>, vector<1x16xf32>,
      %get3A_852 = vector.shape_cast %get3A_851 : vector<1x16xf32> to vector<16xf32>
      %mul3A_853 = arith.mulf %get3A_846, %get3A_852 : vector<16xf32>
      %add3A_854 = arith.addf %mul3A_840, %mul3A_853 : vector<16xf32>
      %add3A_855 = arith.constant 6 : i32
      %add3A_856 = arith.addi %mul3A_298, %add3A_855 : i32
      %get3A_857 = arith.index_cast %add3A_856 : i32 to index
      %get3A_858 = arith.constant 32 : index
      %get3A_859 = tpu.vector_load %arg11[%get3A_857, %get3A_858] {strides = array<i32>} : memref<512x64xf32, #tpu.memory_space<vmem>>, vector<1x16xf32>,
      %get3A_860 = vector.shape_cast %get3A_859 : vector<1x16xf32> to vector<16xf32>
      %add3A_861 = arith.constant 6 : i32
      %add3A_862 = arith.addi %mul3A_298, %add3A_861 : i32
      %get3A_863 = arith.index_cast %add3A_862 : i32 to index
      %get3A_864 = arith.constant 32 : index
      %get3A_865 = tpu.vector_load %arg12[%get3A_863, %get3A_864] {strides = array<i32>} : memref<512x64xf32, #tpu.memory_space<vmem>>, vector<1x16xf32>,
      %get3A_866 = vector.shape_cast %get3A_865 : vector<1x16xf32> to vector<16xf32>
      %mul3A_867 = arith.mulf %get3A_860, %get3A_866 : vector<16xf32>
      %add3A_868 = arith.addf %add3A_854, %mul3A_867 : vector<16xf32>
      %add3A_869 = arith.constant 6 : i32
      %add3A_870 = arith.addi %mul3A_298, %add3A_869 : i32
      %get3A_871 = arith.index_cast %add3A_870 : i32 to index
      %get3A_872 = arith.constant 48 : index
      %get3A_873 = tpu.vector_load %arg11[%get3A_871, %get3A_872] {strides = array<i32>} : memref<512x64xf32, #tpu.memory_space<vmem>>, vector<1x16xf32>,
      %get3A_874 = vector.shape_cast %get3A_873 : vector<1x16xf32> to vector<16xf32>
      %add3A_875 = arith.constant 6 : i32
      %add3A_876 = arith.addi %mul3A_298, %add3A_875 : i32
      %get3A_877 = arith.index_cast %add3A_876 : i32 to index
      %get3A_878 = arith.constant 48 : index
      %get3A_879 = tpu.vector_load %arg12[%get3A_877, %get3A_878] {strides = array<i32>} : memref<512x64xf32, #tpu.memory_space<vmem>>, vector<1x16xf32>,
      %get3A_880 = vector.shape_cast %get3A_879 : vector<1x16xf32> to vector<16xf32>
      %mul3A_881 = arith.mulf %get3A_874, %get3A_880 : vector<16xf32>
      %add3A_882 = arith.addf %add3A_868, %mul3A_881 : vector<16xf32>
      %xor3A_883 = arith.constant 1 : i32
      %xor3A_884 = vector.broadcast %xor3A_883 : i32 to vector<16xi32>
      %xor3A_885 = arith.xori %iota3A, %xor3A_884 : vector<16xi32>
      %broadcast_in_dim3A_886 = vector.shape_cast %xor3A_885 : vector<16xi32> to vector<16x1xi32>
      %gather3A_887 = vector.shape_cast %broadcast_in_dim3A_886 : vector<16x1xi32> to vector<16xi32>
      %gather3A_888 = tpu.dynamic_gather %add3A_882[%gather3A_887] in [0] : vector<16xf32>, vector<16xi32> -> vector<16xf32>
      %add3A_889 = arith.addf %add3A_882, %gather3A_888 : vector<16xf32>
      %xor3A_890 = arith.constant 2 : i32
      %xor3A_891 = vector.broadcast %xor3A_890 : i32 to vector<16xi32>
      %xor3A_892 = arith.xori %iota3A, %xor3A_891 : vector<16xi32>
      %broadcast_in_dim3A_893 = vector.shape_cast %xor3A_892 : vector<16xi32> to vector<16x1xi32>
      %gather3A_894 = vector.shape_cast %broadcast_in_dim3A_893 : vector<16x1xi32> to vector<16xi32>
      %gather3A_895 = tpu.dynamic_gather %add3A_889[%gather3A_894] in [0] : vector<16xf32>, vector<16xi32> -> vector<16xf32>
      %add3A_896 = arith.addf %add3A_889, %gather3A_895 : vector<16xf32>
      %xor3A_897 = arith.constant 4 : i32
      %xor3A_898 = vector.broadcast %xor3A_897 : i32 to vector<16xi32>
      %xor3A_899 = arith.xori %iota3A, %xor3A_898 : vector<16xi32>
      %broadcast_in_dim3A_900 = vector.shape_cast %xor3A_899 : vector<16xi32> to vector<16x1xi32>
      %gather3A_901 = vector.shape_cast %broadcast_in_dim3A_900 : vector<16x1xi32> to vector<16xi32>
      %gather3A_902 = tpu.dynamic_gather %add3A_896[%gather3A_901] in [0] : vector<16xf32>, vector<16xi32> -> vector<16xf32>
      %add3A_903 = arith.addf %add3A_896, %gather3A_902 : vector<16xf32>
      %xor3A_904 = arith.constant 8 : i32
      %xor3A_905 = vector.broadcast %xor3A_904 : i32 to vector<16xi32>
      %xor3A_906 = arith.xori %iota3A, %xor3A_905 : vector<16xi32>
      %broadcast_in_dim3A_907 = vector.shape_cast %xor3A_906 : vector<16xi32> to vector<16x1xi32>
      %gather3A_908 = vector.shape_cast %broadcast_in_dim3A_907 : vector<16x1xi32> to vector<16xi32>
      %gather3A_909 = tpu.dynamic_gather %add3A_903[%gather3A_908] in [0] : vector<16xf32>, vector<16xi32> -> vector<16xf32>
      %add3A_910 = arith.addf %add3A_903, %gather3A_909 : vector<16xf32>
      %eq3A_911 = arith.constant 6 : i32
      %eq3A_912 = vector.broadcast %eq3A_911 : i32 to vector<16xi32>
      %eq3A_913 = arith.cmpi eq, %iota3A, %eq3A_912 : vector<16xi32>
      %add3A_914 = arith.addf %select_n3A_827, %add3A_910 : vector<16xf32>
      %select_n3A_915 = arith.select %eq3A_913, %add3A_914, %select_n3A_827 : vector<16xi1>, vector<16xf32>
      %add3A_916 = arith.constant 7 : i32
      %add3A_917 = arith.addi %mul3A_298, %add3A_916 : i32
      %get3A_918 = arith.index_cast %add3A_917 : i32 to index
      %get3A_919 = arith.constant 0 : index
      %get3A_920 = tpu.vector_load %arg11[%get3A_918, %get3A_919] {strides = array<i32>} : memref<512x64xf32, #tpu.memory_space<vmem>>, vector<1x16xf32>,
      %get3A_921 = vector.shape_cast %get3A_920 : vector<1x16xf32> to vector<16xf32>
      %add3A_922 = arith.constant 7 : i32
      %add3A_923 = arith.addi %mul3A_298, %add3A_922 : i32
      %get3A_924 = arith.index_cast %add3A_923 : i32 to index
      %get3A_925 = arith.constant 0 : index
      %get3A_926 = tpu.vector_load %arg12[%get3A_924, %get3A_925] {strides = array<i32>} : memref<512x64xf32, #tpu.memory_space<vmem>>, vector<1x16xf32>,
      %get3A_927 = vector.shape_cast %get3A_926 : vector<1x16xf32> to vector<16xf32>
      %mul3A_928 = arith.mulf %get3A_921, %get3A_927 : vector<16xf32>
      %add3A_929 = arith.constant 7 : i32
      %add3A_930 = arith.addi %mul3A_298, %add3A_929 : i32
      %get3A_931 = arith.index_cast %add3A_930 : i32 to index
      %get3A_932 = arith.constant 16 : index
      %get3A_933 = tpu.vector_load %arg11[%get3A_931, %get3A_932] {strides = array<i32>} : memref<512x64xf32, #tpu.memory_space<vmem>>, vector<1x16xf32>,
      %get3A_934 = vector.shape_cast %get3A_933 : vector<1x16xf32> to vector<16xf32>
      %add3A_935 = arith.constant 7 : i32
      %add3A_936 = arith.addi %mul3A_298, %add3A_935 : i32
      %get3A_937 = arith.index_cast %add3A_936 : i32 to index
      %get3A_938 = arith.constant 16 : index
      %get3A_939 = tpu.vector_load %arg12[%get3A_937, %get3A_938] {strides = array<i32>} : memref<512x64xf32, #tpu.memory_space<vmem>>, vector<1x16xf32>,
      %get3A_940 = vector.shape_cast %get3A_939 : vector<1x16xf32> to vector<16xf32>
      %mul3A_941 = arith.mulf %get3A_934, %get3A_940 : vector<16xf32>
      %add3A_942 = arith.addf %mul3A_928, %mul3A_941 : vector<16xf32>
      %add3A_943 = arith.constant 7 : i32
      %add3A_944 = arith.addi %mul3A_298, %add3A_943 : i32
      %get3A_945 = arith.index_cast %add3A_944 : i32 to index
      %get3A_946 = arith.constant 32 : index
      %get3A_947 = tpu.vector_load %arg11[%get3A_945, %get3A_946] {strides = array<i32>} : memref<512x64xf32, #tpu.memory_space<vmem>>, vector<1x16xf32>,
      %get3A_948 = vector.shape_cast %get3A_947 : vector<1x16xf32> to vector<16xf32>
      %add3A_949 = arith.constant 7 : i32
      %add3A_950 = arith.addi %mul3A_298, %add3A_949 : i32
      %get3A_951 = arith.index_cast %add3A_950 : i32 to index
      %get3A_952 = arith.constant 32 : index
      %get3A_953 = tpu.vector_load %arg12[%get3A_951, %get3A_952] {strides = array<i32>} : memref<512x64xf32, #tpu.memory_space<vmem>>, vector<1x16xf32>,
      %get3A_954 = vector.shape_cast %get3A_953 : vector<1x16xf32> to vector<16xf32>
      %mul3A_955 = arith.mulf %get3A_948, %get3A_954 : vector<16xf32>
      %add3A_956 = arith.addf %add3A_942, %mul3A_955 : vector<16xf32>
      %add3A_957 = arith.constant 7 : i32
      %add3A_958 = arith.addi %mul3A_298, %add3A_957 : i32
      %get3A_959 = arith.index_cast %add3A_958 : i32 to index
      %get3A_960 = arith.constant 48 : index
      %get3A_961 = tpu.vector_load %arg11[%get3A_959, %get3A_960] {strides = array<i32>} : memref<512x64xf32, #tpu.memory_space<vmem>>, vector<1x16xf32>,
      %get3A_962 = vector.shape_cast %get3A_961 : vector<1x16xf32> to vector<16xf32>
      %add3A_963 = arith.constant 7 : i32
      %add3A_964 = arith.addi %mul3A_298, %add3A_963 : i32
      %get3A_965 = arith.index_cast %add3A_964 : i32 to index
      %get3A_966 = arith.constant 48 : index
      %get3A_967 = tpu.vector_load %arg12[%get3A_965, %get3A_966] {strides = array<i32>} : memref<512x64xf32, #tpu.memory_space<vmem>>, vector<1x16xf32>,
      %get3A_968 = vector.shape_cast %get3A_967 : vector<1x16xf32> to vector<16xf32>
      %mul3A_969 = arith.mulf %get3A_962, %get3A_968 : vector<16xf32>
      %add3A_970 = arith.addf %add3A_956, %mul3A_969 : vector<16xf32>
      %xor3A_971 = arith.constant 1 : i32
      %xor3A_972 = vector.broadcast %xor3A_971 : i32 to vector<16xi32>
      %xor3A_973 = arith.xori %iota3A, %xor3A_972 : vector<16xi32>
      %broadcast_in_dim3A_974 = vector.shape_cast %xor3A_973 : vector<16xi32> to vector<16x1xi32>
      %gather3A_975 = vector.shape_cast %broadcast_in_dim3A_974 : vector<16x1xi32> to vector<16xi32>
      %gather3A_976 = tpu.dynamic_gather %add3A_970[%gather3A_975] in [0] : vector<16xf32>, vector<16xi32> -> vector<16xf32>
      %add3A_977 = arith.addf %add3A_970, %gather3A_976 : vector<16xf32>
      %xor3A_978 = arith.constant 2 : i32
      %xor3A_979 = vector.broadcast %xor3A_978 : i32 to vector<16xi32>
      %xor3A_980 = arith.xori %iota3A, %xor3A_979 : vector<16xi32>
      %broadcast_in_dim3A_981 = vector.shape_cast %xor3A_980 : vector<16xi32> to vector<16x1xi32>
      %gather3A_982 = vector.shape_cast %broadcast_in_dim3A_981 : vector<16x1xi32> to vector<16xi32>
      %gather3A_983 = tpu.dynamic_gather %add3A_977[%gather3A_982] in [0] : vector<16xf32>, vector<16xi32> -> vector<16xf32>
      %add3A_984 = arith.addf %add3A_977, %gather3A_983 : vector<16xf32>
      %xor3A_985 = arith.constant 4 : i32
      %xor3A_986 = vector.broadcast %xor3A_985 : i32 to vector<16xi32>
      %xor3A_987 = arith.xori %iota3A, %xor3A_986 : vector<16xi32>
      %broadcast_in_dim3A_988 = vector.shape_cast %xor3A_987 : vector<16xi32> to vector<16x1xi32>
      %gather3A_989 = vector.shape_cast %broadcast_in_dim3A_988 : vector<16x1xi32> to vector<16xi32>
      %gather3A_990 = tpu.dynamic_gather %add3A_984[%gather3A_989] in [0] : vector<16xf32>, vector<16xi32> -> vector<16xf32>
      %add3A_991 = arith.addf %add3A_984, %gather3A_990 : vector<16xf32>
      %xor3A_992 = arith.constant 8 : i32
      %xor3A_993 = vector.broadcast %xor3A_992 : i32 to vector<16xi32>
      %xor3A_994 = arith.xori %iota3A, %xor3A_993 : vector<16xi32>
      %broadcast_in_dim3A_995 = vector.shape_cast %xor3A_994 : vector<16xi32> to vector<16x1xi32>
      %gather3A_996 = vector.shape_cast %broadcast_in_dim3A_995 : vector<16x1xi32> to vector<16xi32>
      %gather3A_997 = tpu.dynamic_gather %add3A_991[%gather3A_996] in [0] : vector<16xf32>, vector<16xi32> -> vector<16xf32>
      %add3A_998 = arith.addf %add3A_991, %gather3A_997 : vector<16xf32>
      %eq3A_999 = arith.constant 7 : i32
      %eq3A_1000 = vector.broadcast %eq3A_999 : i32 to vector<16xi32>
      %eq3A_1001 = arith.cmpi eq, %iota3A, %eq3A_1000 : vector<16xi32>
      %add3A_1002 = arith.addf %select_n3A_915, %add3A_998 : vector<16xf32>
      %select_n3A_1003 = arith.select %eq3A_1001, %add3A_1002, %select_n3A_915 : vector<16xi1>, vector<16xf32>
      %add3A_1004 = arith.constant 8 : i32
      %add3A_1005 = arith.addi %mul3A_298, %add3A_1004 : i32
      %get3A_1006 = arith.index_cast %add3A_1005 : i32 to index
      %get3A_1007 = arith.constant 0 : index
      %get3A_1008 = tpu.vector_load %arg11[%get3A_1006, %get3A_1007] {strides = array<i32>} : memref<512x64xf32, #tpu.memory_space<vmem>>, vector<1x16xf32>,
      %get3A_1009 = vector.shape_cast %get3A_1008 : vector<1x16xf32> to vector<16xf32>
      %add3A_1010 = arith.constant 8 : i32
      %add3A_1011 = arith.addi %mul3A_298, %add3A_1010 : i32
      %get3A_1012 = arith.index_cast %add3A_1011 : i32 to index
      %get3A_1013 = arith.constant 0 : index
      %get3A_1014 = tpu.vector_load %arg12[%get3A_1012, %get3A_1013] {strides = array<i32>} : memref<512x64xf32, #tpu.memory_space<vmem>>, vector<1x16xf32>,
      %get3A_1015 = vector.shape_cast %get3A_1014 : vector<1x16xf32> to vector<16xf32>
      %mul3A_1016 = arith.mulf %get3A_1009, %get3A_1015 : vector<16xf32>
      %add3A_1017 = arith.constant 8 : i32
      %add3A_1018 = arith.addi %mul3A_298, %add3A_1017 : i32
      %get3A_1019 = arith.index_cast %add3A_1018 : i32 to index
      %get3A_1020 = arith.constant 16 : index
      %get3A_1021 = tpu.vector_load %arg11[%get3A_1019, %get3A_1020] {strides = array<i32>} : memref<512x64xf32, #tpu.memory_space<vmem>>, vector<1x16xf32>,
      %get3A_1022 = vector.shape_cast %get3A_1021 : vector<1x16xf32> to vector<16xf32>
      %add3A_1023 = arith.constant 8 : i32
      %add3A_1024 = arith.addi %mul3A_298, %add3A_1023 : i32
      %get3A_1025 = arith.index_cast %add3A_1024 : i32 to index
      %get3A_1026 = arith.constant 16 : index
      %get3A_1027 = tpu.vector_load %arg12[%get3A_1025, %get3A_1026] {strides = array<i32>} : memref<512x64xf32, #tpu.memory_space<vmem>>, vector<1x16xf32>,
      %get3A_1028 = vector.shape_cast %get3A_1027 : vector<1x16xf32> to vector<16xf32>
      %mul3A_1029 = arith.mulf %get3A_1022, %get3A_1028 : vector<16xf32>
      %add3A_1030 = arith.addf %mul3A_1016, %mul3A_1029 : vector<16xf32>
      %add3A_1031 = arith.constant 8 : i32
      %add3A_1032 = arith.addi %mul3A_298, %add3A_1031 : i32
      %get3A_1033 = arith.index_cast %add3A_1032 : i32 to index
      %get3A_1034 = arith.constant 32 : index
      %get3A_1035 = tpu.vector_load %arg11[%get3A_1033, %get3A_1034] {strides = array<i32>} : memref<512x64xf32, #tpu.memory_space<vmem>>, vector<1x16xf32>,
      %get3A_1036 = vector.shape_cast %get3A_1035 : vector<1x16xf32> to vector<16xf32>
      %add3A_1037 = arith.constant 8 : i32
      %add3A_1038 = arith.addi %mul3A_298, %add3A_1037 : i32
      %get3A_1039 = arith.index_cast %add3A_1038 : i32 to index
      %get3A_1040 = arith.constant 32 : index
      %get3A_1041 = tpu.vector_load %arg12[%get3A_1039, %get3A_1040] {strides = array<i32>} : memref<512x64xf32, #tpu.memory_space<vmem>>, vector<1x16xf32>,
      %get3A_1042 = vector.shape_cast %get3A_1041 : vector<1x16xf32> to vector<16xf32>
      %mul3A_1043 = arith.mulf %get3A_1036, %get3A_1042 : vector<16xf32>
      %add3A_1044 = arith.addf %add3A_1030, %mul3A_1043 : vector<16xf32>
      %add3A_1045 = arith.constant 8 : i32
      %add3A_1046 = arith.addi %mul3A_298, %add3A_1045 : i32
      %get3A_1047 = arith.index_cast %add3A_1046 : i32 to index
      %get3A_1048 = arith.constant 48 : index
      %get3A_1049 = tpu.vector_load %arg11[%get3A_1047, %get3A_1048] {strides = array<i32>} : memref<512x64xf32, #tpu.memory_space<vmem>>, vector<1x16xf32>,
      %get3A_1050 = vector.shape_cast %get3A_1049 : vector<1x16xf32> to vector<16xf32>
      %add3A_1051 = arith.constant 8 : i32
      %add3A_1052 = arith.addi %mul3A_298, %add3A_1051 : i32
      %get3A_1053 = arith.index_cast %add3A_1052 : i32 to index
      %get3A_1054 = arith.constant 48 : index
      %get3A_1055 = tpu.vector_load %arg12[%get3A_1053, %get3A_1054] {strides = array<i32>} : memref<512x64xf32, #tpu.memory_space<vmem>>, vector<1x16xf32>,
      %get3A_1056 = vector.shape_cast %get3A_1055 : vector<1x16xf32> to vector<16xf32>
      %mul3A_1057 = arith.mulf %get3A_1050, %get3A_1056 : vector<16xf32>
      %add3A_1058 = arith.addf %add3A_1044, %mul3A_1057 : vector<16xf32>
      %xor3A_1059 = arith.constant 1 : i32
      %xor3A_1060 = vector.broadcast %xor3A_1059 : i32 to vector<16xi32>
      %xor3A_1061 = arith.xori %iota3A, %xor3A_1060 : vector<16xi32>
      %broadcast_in_dim3A_1062 = vector.shape_cast %xor3A_1061 : vector<16xi32> to vector<16x1xi32>
      %gather3A_1063 = vector.shape_cast %broadcast_in_dim3A_1062 : vector<16x1xi32> to vector<16xi32>
      %gather3A_1064 = tpu.dynamic_gather %add3A_1058[%gather3A_1063] in [0] : vector<16xf32>, vector<16xi32> -> vector<16xf32>
      %add3A_1065 = arith.addf %add3A_1058, %gather3A_1064 : vector<16xf32>
      %xor3A_1066 = arith.constant 2 : i32
      %xor3A_1067 = vector.broadcast %xor3A_1066 : i32 to vector<16xi32>
      %xor3A_1068 = arith.xori %iota3A, %xor3A_1067 : vector<16xi32>
      %broadcast_in_dim3A_1069 = vector.shape_cast %xor3A_1068 : vector<16xi32> to vector<16x1xi32>
      %gather3A_1070 = vector.shape_cast %broadcast_in_dim3A_1069 : vector<16x1xi32> to vector<16xi32>
      %gather3A_1071 = tpu.dynamic_gather %add3A_1065[%gather3A_1070] in [0] : vector<16xf32>, vector<16xi32> -> vector<16xf32>
      %add3A_1072 = arith.addf %add3A_1065, %gather3A_1071 : vector<16xf32>
      %xor3A_1073 = arith.constant 4 : i32
      %xor3A_1074 = vector.broadcast %xor3A_1073 : i32 to vector<16xi32>
      %xor3A_1075 = arith.xori %iota3A, %xor3A_1074 : vector<16xi32>
      %broadcast_in_dim3A_1076 = vector.shape_cast %xor3A_1075 : vector<16xi32> to vector<16x1xi32>
      %gather3A_1077 = vector.shape_cast %broadcast_in_dim3A_1076 : vector<16x1xi32> to vector<16xi32>
      %gather3A_1078 = tpu.dynamic_gather %add3A_1072[%gather3A_1077] in [0] : vector<16xf32>, vector<16xi32> -> vector<16xf32>
      %add3A_1079 = arith.addf %add3A_1072, %gather3A_1078 : vector<16xf32>
      %xor3A_1080 = arith.constant 8 : i32
      %xor3A_1081 = vector.broadcast %xor3A_1080 : i32 to vector<16xi32>
      %xor3A_1082 = arith.xori %iota3A, %xor3A_1081 : vector<16xi32>
      %broadcast_in_dim3A_1083 = vector.shape_cast %xor3A_1082 : vector<16xi32> to vector<16x1xi32>
      %gather3A_1084 = vector.shape_cast %broadcast_in_dim3A_1083 : vector<16x1xi32> to vector<16xi32>
      %gather3A_1085 = tpu.dynamic_gather %add3A_1079[%gather3A_1084] in [0] : vector<16xf32>, vector<16xi32> -> vector<16xf32>
      %add3A_1086 = arith.addf %add3A_1079, %gather3A_1085 : vector<16xf32>
      %eq3A_1087 = arith.constant 8 : i32
      %eq3A_1088 = vector.broadcast %eq3A_1087 : i32 to vector<16xi32>
      %eq3A_1089 = arith.cmpi eq, %iota3A, %eq3A_1088 : vector<16xi32>
      %add3A_1090 = arith.addf %select_n3A_1003, %add3A_1086 : vector<16xf32>
      %select_n3A_1091 = arith.select %eq3A_1089, %add3A_1090, %select_n3A_1003 : vector<16xi1>, vector<16xf32>
      %add3A_1092 = arith.constant 9 : i32
      %add3A_1093 = arith.addi %mul3A_298, %add3A_1092 : i32
      %get3A_1094 = arith.index_cast %add3A_1093 : i32 to index
      %get3A_1095 = arith.constant 0 : index
      %get3A_1096 = tpu.vector_load %arg11[%get3A_1094, %get3A_1095] {strides = array<i32>} : memref<512x64xf32, #tpu.memory_space<vmem>>, vector<1x16xf32>,
      %get3A_1097 = vector.shape_cast %get3A_1096 : vector<1x16xf32> to vector<16xf32>
      %add3A_1098 = arith.constant 9 : i32
      %add3A_1099 = arith.addi %mul3A_298, %add3A_1098 : i32
      %get3A_1100 = arith.index_cast %add3A_1099 : i32 to index
      %get3A_1101 = arith.constant 0 : index
      %get3A_1102 = tpu.vector_load %arg12[%get3A_1100, %get3A_1101] {strides = array<i32>} : memref<512x64xf32, #tpu.memory_space<vmem>>, vector<1x16xf32>,
      %get3A_1103 = vector.shape_cast %get3A_1102 : vector<1x16xf32> to vector<16xf32>
      %mul3A_1104 = arith.mulf %get3A_1097, %get3A_1103 : vector<16xf32>
      %add3A_1105 = arith.constant 9 : i32
      %add3A_1106 = arith.addi %mul3A_298, %add3A_1105 : i32
      %get3A_1107 = arith.index_cast %add3A_1106 : i32 to index
      %get3A_1108 = arith.constant 16 : index
      %get3A_1109 = tpu.vector_load %arg11[%get3A_1107, %get3A_1108] {strides = array<i32>} : memref<512x64xf32, #tpu.memory_space<vmem>>, vector<1x16xf32>,
      %get3A_1110 = vector.shape_cast %get3A_1109 : vector<1x16xf32> to vector<16xf32>
      %add3A_1111 = arith.constant 9 : i32
      %add3A_1112 = arith.addi %mul3A_298, %add3A_1111 : i32
      %get3A_1113 = arith.index_cast %add3A_1112 : i32 to index
      %get3A_1114 = arith.constant 16 : index
      %get3A_1115 = tpu.vector_load %arg12[%get3A_1113, %get3A_1114] {strides = array<i32>} : memref<512x64xf32, #tpu.memory_space<vmem>>, vector<1x16xf32>,
      %get3A_1116 = vector.shape_cast %get3A_1115 : vector<1x16xf32> to vector<16xf32>
      %mul3A_1117 = arith.mulf %get3A_1110, %get3A_1116 : vector<16xf32>
      %add3A_1118 = arith.addf %mul3A_1104, %mul3A_1117 : vector<16xf32>
      %add3A_1119 = arith.constant 9 : i32
      %add3A_1120 = arith.addi %mul3A_298, %add3A_1119 : i32
      %get3A_1121 = arith.index_cast %add3A_1120 : i32 to index
      %get3A_1122 = arith.constant 32 : index
      %get3A_1123 = tpu.vector_load %arg11[%get3A_1121, %get3A_1122] {strides = array<i32>} : memref<512x64xf32, #tpu.memory_space<vmem>>, vector<1x16xf32>,
      %get3A_1124 = vector.shape_cast %get3A_1123 : vector<1x16xf32> to vector<16xf32>
      %add3A_1125 = arith.constant 9 : i32
      %add3A_1126 = arith.addi %mul3A_298, %add3A_1125 : i32
      %get3A_1127 = arith.index_cast %add3A_1126 : i32 to index
      %get3A_1128 = arith.constant 32 : index
      %get3A_1129 = tpu.vector_load %arg12[%get3A_1127, %get3A_1128] {strides = array<i32>} : memref<512x64xf32, #tpu.memory_space<vmem>>, vector<1x16xf32>,
      %get3A_1130 = vector.shape_cast %get3A_1129 : vector<1x16xf32> to vector<16xf32>
      %mul3A_1131 = arith.mulf %get3A_1124, %get3A_1130 : vector<16xf32>
      %add3A_1132 = arith.addf %add3A_1118, %mul3A_1131 : vector<16xf32>
      %add3A_1133 = arith.constant 9 : i32
      %add3A_1134 = arith.addi %mul3A_298, %add3A_1133 : i32
      %get3A_1135 = arith.index_cast %add3A_1134 : i32 to index
      %get3A_1136 = arith.constant 48 : index
      %get3A_1137 = tpu.vector_load %arg11[%get3A_1135, %get3A_1136] {strides = array<i32>} : memref<512x64xf32, #tpu.memory_space<vmem>>, vector<1x16xf32>,
      %get3A_1138 = vector.shape_cast %get3A_1137 : vector<1x16xf32> to vector<16xf32>
      %add3A_1139 = arith.constant 9 : i32
      %add3A_1140 = arith.addi %mul3A_298, %add3A_1139 : i32
      %get3A_1141 = arith.index_cast %add3A_1140 : i32 to index
      %get3A_1142 = arith.constant 48 : index
      %get3A_1143 = tpu.vector_load %arg12[%get3A_1141, %get3A_1142] {strides = array<i32>} : memref<512x64xf32, #tpu.memory_space<vmem>>, vector<1x16xf32>,
      %get3A_1144 = vector.shape_cast %get3A_1143 : vector<1x16xf32> to vector<16xf32>
      %mul3A_1145 = arith.mulf %get3A_1138, %get3A_1144 : vector<16xf32>
      %add3A_1146 = arith.addf %add3A_1132, %mul3A_1145 : vector<16xf32>
      %xor3A_1147 = arith.constant 1 : i32
      %xor3A_1148 = vector.broadcast %xor3A_1147 : i32 to vector<16xi32>
      %xor3A_1149 = arith.xori %iota3A, %xor3A_1148 : vector<16xi32>
      %broadcast_in_dim3A_1150 = vector.shape_cast %xor3A_1149 : vector<16xi32> to vector<16x1xi32>
      %gather3A_1151 = vector.shape_cast %broadcast_in_dim3A_1150 : vector<16x1xi32> to vector<16xi32>
      %gather3A_1152 = tpu.dynamic_gather %add3A_1146[%gather3A_1151] in [0] : vector<16xf32>, vector<16xi32> -> vector<16xf32>
      %add3A_1153 = arith.addf %add3A_1146, %gather3A_1152 : vector<16xf32>
      %xor3A_1154 = arith.constant 2 : i32
      %xor3A_1155 = vector.broadcast %xor3A_1154 : i32 to vector<16xi32>
      %xor3A_1156 = arith.xori %iota3A, %xor3A_1155 : vector<16xi32>
      %broadcast_in_dim3A_1157 = vector.shape_cast %xor3A_1156 : vector<16xi32> to vector<16x1xi32>
      %gather3A_1158 = vector.shape_cast %broadcast_in_dim3A_1157 : vector<16x1xi32> to vector<16xi32>
      %gather3A_1159 = tpu.dynamic_gather %add3A_1153[%gather3A_1158] in [0] : vector<16xf32>, vector<16xi32> -> vector<16xf32>
      %add3A_1160 = arith.addf %add3A_1153, %gather3A_1159 : vector<16xf32>
      %xor3A_1161 = arith.constant 4 : i32
      %xor3A_1162 = vector.broadcast %xor3A_1161 : i32 to vector<16xi32>
      %xor3A_1163 = arith.xori %iota3A, %xor3A_1162 : vector<16xi32>
      %broadcast_in_dim3A_1164 = vector.shape_cast %xor3A_1163 : vector<16xi32> to vector<16x1xi32>
      %gather3A_1165 = vector.shape_cast %broadcast_in_dim3A_1164 : vector<16x1xi32> to vector<16xi32>
      %gather3A_1166 = tpu.dynamic_gather %add3A_1160[%gather3A_1165] in [0] : vector<16xf32>, vector<16xi32> -> vector<16xf32>
      %add3A_1167 = arith.addf %add3A_1160, %gather3A_1166 : vector<16xf32>
      %xor3A_1168 = arith.constant 8 : i32
      %xor3A_1169 = vector.broadcast %xor3A_1168 : i32 to vector<16xi32>
      %xor3A_1170 = arith.xori %iota3A, %xor3A_1169 : vector<16xi32>
      %broadcast_in_dim3A_1171 = vector.shape_cast %xor3A_1170 : vector<16xi32> to vector<16x1xi32>
      %gather3A_1172 = vector.shape_cast %broadcast_in_dim3A_1171 : vector<16x1xi32> to vector<16xi32>
      %gather3A_1173 = tpu.dynamic_gather %add3A_1167[%gather3A_1172] in [0] : vector<16xf32>, vector<16xi32> -> vector<16xf32>
      %add3A_1174 = arith.addf %add3A_1167, %gather3A_1173 : vector<16xf32>
      %eq3A_1175 = arith.constant 9 : i32
      %eq3A_1176 = vector.broadcast %eq3A_1175 : i32 to vector<16xi32>
      %eq3A_1177 = arith.cmpi eq, %iota3A, %eq3A_1176 : vector<16xi32>
      %add3A_1178 = arith.addf %select_n3A_1091, %add3A_1174 : vector<16xf32>
      %select_n3A_1179 = arith.select %eq3A_1177, %add3A_1178, %select_n3A_1091 : vector<16xi1>, vector<16xf32>
      %add3A_1180 = arith.constant 10 : i32
      %add3A_1181 = arith.addi %mul3A_298, %add3A_1180 : i32
      %get3A_1182 = arith.index_cast %add3A_1181 : i32 to index
      %get3A_1183 = arith.constant 0 : index
      %get3A_1184 = tpu.vector_load %arg11[%get3A_1182, %get3A_1183] {strides = array<i32>} : memref<512x64xf32, #tpu.memory_space<vmem>>, vector<1x16xf32>,
      %get3A_1185 = vector.shape_cast %get3A_1184 : vector<1x16xf32> to vector<16xf32>
      %add3A_1186 = arith.constant 10 : i32
      %add3A_1187 = arith.addi %mul3A_298, %add3A_1186 : i32
      %get3A_1188 = arith.index_cast %add3A_1187 : i32 to index
      %get3A_1189 = arith.constant 0 : index
      %get3A_1190 = tpu.vector_load %arg12[%get3A_1188, %get3A_1189] {strides = array<i32>} : memref<512x64xf32, #tpu.memory_space<vmem>>, vector<1x16xf32>,
      %get3A_1191 = vector.shape_cast %get3A_1190 : vector<1x16xf32> to vector<16xf32>
      %mul3A_1192 = arith.mulf %get3A_1185, %get3A_1191 : vector<16xf32>
      %add3A_1193 = arith.constant 10 : i32
      %add3A_1194 = arith.addi %mul3A_298, %add3A_1193 : i32
      %get3A_1195 = arith.index_cast %add3A_1194 : i32 to index
      %get3A_1196 = arith.constant 16 : index
      %get3A_1197 = tpu.vector_load %arg11[%get3A_1195, %get3A_1196] {strides = array<i32>} : memref<512x64xf32, #tpu.memory_space<vmem>>, vector<1x16xf32>,
      %get3A_1198 = vector.shape_cast %get3A_1197 : vector<1x16xf32> to vector<16xf32>
      %add3A_1199 = arith.constant 10 : i32
      %add3A_1200 = arith.addi %mul3A_298, %add3A_1199 : i32
      %get3A_1201 = arith.index_cast %add3A_1200 : i32 to index
      %get3A_1202 = arith.constant 16 : index
      %get3A_1203 = tpu.vector_load %arg12[%get3A_1201, %get3A_1202] {strides = array<i32>} : memref<512x64xf32, #tpu.memory_space<vmem>>, vector<1x16xf32>,
      %get3A_1204 = vector.shape_cast %get3A_1203 : vector<1x16xf32> to vector<16xf32>
      %mul3A_1205 = arith.mulf %get3A_1198, %get3A_1204 : vector<16xf32>
      %add3A_1206 = arith.addf %mul3A_1192, %mul3A_1205 : vector<16xf32>
      %add3A_1207 = arith.constant 10 : i32
      %add3A_1208 = arith.addi %mul3A_298, %add3A_1207 : i32
      %get3A_1209 = arith.index_cast %add3A_1208 : i32 to index
      %get3A_1210 = arith.constant 32 : index
      %get3A_1211 = tpu.vector_load %arg11[%get3A_1209, %get3A_1210] {strides = array<i32>} : memref<512x64xf32, #tpu.memory_space<vmem>>, vector<1x16xf32>,
      %get3A_1212 = vector.shape_cast %get3A_1211 : vector<1x16xf32> to vector<16xf32>
      %add3A_1213 = arith.constant 10 : i32
      %add3A_1214 = arith.addi %mul3A_298, %add3A_1213 : i32
      %get3A_1215 = arith.index_cast %add3A_1214 : i32 to index
      %get3A_1216 = arith.constant 32 : index
      %get3A_1217 = tpu.vector_load %arg12[%get3A_1215, %get3A_1216] {strides = array<i32>} : memref<512x64xf32, #tpu.memory_space<vmem>>, vector<1x16xf32>,
      %get3A_1218 = vector.shape_cast %get3A_1217 : vector<1x16xf32> to vector<16xf32>
      %mul3A_1219 = arith.mulf %get3A_1212, %get3A_1218 : vector<16xf32>
      %add3A_1220 = arith.addf %add3A_1206, %mul3A_1219 : vector<16xf32>
      %add3A_1221 = arith.constant 10 : i32
      %add3A_1222 = arith.addi %mul3A_298, %add3A_1221 : i32
      %get3A_1223 = arith.index_cast %add3A_1222 : i32 to index
      %get3A_1224 = arith.constant 48 : index
      %get3A_1225 = tpu.vector_load %arg11[%get3A_1223, %get3A_1224] {strides = array<i32>} : memref<512x64xf32, #tpu.memory_space<vmem>>, vector<1x16xf32>,
      %get3A_1226 = vector.shape_cast %get3A_1225 : vector<1x16xf32> to vector<16xf32>
      %add3A_1227 = arith.constant 10 : i32
      %add3A_1228 = arith.addi %mul3A_298, %add3A_1227 : i32
      %get3A_1229 = arith.index_cast %add3A_1228 : i32 to index
      %get3A_1230 = arith.constant 48 : index
      %get3A_1231 = tpu.vector_load %arg12[%get3A_1229, %get3A_1230] {strides = array<i32>} : memref<512x64xf32, #tpu.memory_space<vmem>>, vector<1x16xf32>,
      %get3A_1232 = vector.shape_cast %get3A_1231 : vector<1x16xf32> to vector<16xf32>
      %mul3A_1233 = arith.mulf %get3A_1226, %get3A_1232 : vector<16xf32>
      %add3A_1234 = arith.addf %add3A_1220, %mul3A_1233 : vector<16xf32>
      %xor3A_1235 = arith.constant 1 : i32
      %xor3A_1236 = vector.broadcast %xor3A_1235 : i32 to vector<16xi32>
      %xor3A_1237 = arith.xori %iota3A, %xor3A_1236 : vector<16xi32>
      %broadcast_in_dim3A_1238 = vector.shape_cast %xor3A_1237 : vector<16xi32> to vector<16x1xi32>
      %gather3A_1239 = vector.shape_cast %broadcast_in_dim3A_1238 : vector<16x1xi32> to vector<16xi32>
      %gather3A_1240 = tpu.dynamic_gather %add3A_1234[%gather3A_1239] in [0] : vector<16xf32>, vector<16xi32> -> vector<16xf32>
      %add3A_1241 = arith.addf %add3A_1234, %gather3A_1240 : vector<16xf32>
      %xor3A_1242 = arith.constant 2 : i32
      %xor3A_1243 = vector.broadcast %xor3A_1242 : i32 to vector<16xi32>
      %xor3A_1244 = arith.xori %iota3A, %xor3A_1243 : vector<16xi32>
      %broadcast_in_dim3A_1245 = vector.shape_cast %xor3A_1244 : vector<16xi32> to vector<16x1xi32>
      %gather3A_1246 = vector.shape_cast %broadcast_in_dim3A_1245 : vector<16x1xi32> to vector<16xi32>
      %gather3A_1247 = tpu.dynamic_gather %add3A_1241[%gather3A_1246] in [0] : vector<16xf32>, vector<16xi32> -> vector<16xf32>
      %add3A_1248 = arith.addf %add3A_1241, %gather3A_1247 : vector<16xf32>
      %xor3A_1249 = arith.constant 4 : i32
      %xor3A_1250 = vector.broadcast %xor3A_1249 : i32 to vector<16xi32>
      %xor3A_1251 = arith.xori %iota3A, %xor3A_1250 : vector<16xi32>
      %broadcast_in_dim3A_1252 = vector.shape_cast %xor3A_1251 : vector<16xi32> to vector<16x1xi32>
      %gather3A_1253 = vector.shape_cast %broadcast_in_dim3A_1252 : vector<16x1xi32> to vector<16xi32>
      %gather3A_1254 = tpu.dynamic_gather %add3A_1248[%gather3A_1253] in [0] : vector<16xf32>, vector<16xi32> -> vector<16xf32>
      %add3A_1255 = arith.addf %add3A_1248, %gather3A_1254 : vector<16xf32>
      %xor3A_1256 = arith.constant 8 : i32
      %xor3A_1257 = vector.broadcast %xor3A_1256 : i32 to vector<16xi32>
      %xor3A_1258 = arith.xori %iota3A, %xor3A_1257 : vector<16xi32>
      %broadcast_in_dim3A_1259 = vector.shape_cast %xor3A_1258 : vector<16xi32> to vector<16x1xi32>
      %gather3A_1260 = vector.shape_cast %broadcast_in_dim3A_1259 : vector<16x1xi32> to vector<16xi32>
      %gather3A_1261 = tpu.dynamic_gather %add3A_1255[%gather3A_1260] in [0] : vector<16xf32>, vector<16xi32> -> vector<16xf32>
      %add3A_1262 = arith.addf %add3A_1255, %gather3A_1261 : vector<16xf32>
      %eq3A_1263 = arith.constant 10 : i32
      %eq3A_1264 = vector.broadcast %eq3A_1263 : i32 to vector<16xi32>
      %eq3A_1265 = arith.cmpi eq, %iota3A, %eq3A_1264 : vector<16xi32>
      %add3A_1266 = arith.addf %select_n3A_1179, %add3A_1262 : vector<16xf32>
      %select_n3A_1267 = arith.select %eq3A_1265, %add3A_1266, %select_n3A_1179 : vector<16xi1>, vector<16xf32>
      %add3A_1268 = arith.constant 11 : i32
      %add3A_1269 = arith.addi %mul3A_298, %add3A_1268 : i32
      %get3A_1270 = arith.index_cast %add3A_1269 : i32 to index
      %get3A_1271 = arith.constant 0 : index
      %get3A_1272 = tpu.vector_load %arg11[%get3A_1270, %get3A_1271] {strides = array<i32>} : memref<512x64xf32, #tpu.memory_space<vmem>>, vector<1x16xf32>,
      %get3A_1273 = vector.shape_cast %get3A_1272 : vector<1x16xf32> to vector<16xf32>
      %add3A_1274 = arith.constant 11 : i32
      %add3A_1275 = arith.addi %mul3A_298, %add3A_1274 : i32
      %get3A_1276 = arith.index_cast %add3A_1275 : i32 to index
      %get3A_1277 = arith.constant 0 : index
      %get3A_1278 = tpu.vector_load %arg12[%get3A_1276, %get3A_1277] {strides = array<i32>} : memref<512x64xf32, #tpu.memory_space<vmem>>, vector<1x16xf32>,
      %get3A_1279 = vector.shape_cast %get3A_1278 : vector<1x16xf32> to vector<16xf32>
      %mul3A_1280 = arith.mulf %get3A_1273, %get3A_1279 : vector<16xf32>
      %add3A_1281 = arith.constant 11 : i32
      %add3A_1282 = arith.addi %mul3A_298, %add3A_1281 : i32
      %get3A_1283 = arith.index_cast %add3A_1282 : i32 to index
      %get3A_1284 = arith.constant 16 : index
      %get3A_1285 = tpu.vector_load %arg11[%get3A_1283, %get3A_1284] {strides = array<i32>} : memref<512x64xf32, #tpu.memory_space<vmem>>, vector<1x16xf32>,
      %get3A_1286 = vector.shape_cast %get3A_1285 : vector<1x16xf32> to vector<16xf32>
      %add3A_1287 = arith.constant 11 : i32
      %add3A_1288 = arith.addi %mul3A_298, %add3A_1287 : i32
      %get3A_1289 = arith.index_cast %add3A_1288 : i32 to index
      %get3A_1290 = arith.constant 16 : index
      %get3A_1291 = tpu.vector_load %arg12[%get3A_1289, %get3A_1290] {strides = array<i32>} : memref<512x64xf32, #tpu.memory_space<vmem>>, vector<1x16xf32>,
      %get3A_1292 = vector.shape_cast %get3A_1291 : vector<1x16xf32> to vector<16xf32>
      %mul3A_1293 = arith.mulf %get3A_1286, %get3A_1292 : vector<16xf32>
      %add3A_1294 = arith.addf %mul3A_1280, %mul3A_1293 : vector<16xf32>
      %add3A_1295 = arith.constant 11 : i32
      %add3A_1296 = arith.addi %mul3A_298, %add3A_1295 : i32
      %get3A_1297 = arith.index_cast %add3A_1296 : i32 to index
      %get3A_1298 = arith.constant 32 : index
      %get3A_1299 = tpu.vector_load %arg11[%get3A_1297, %get3A_1298] {strides = array<i32>} : memref<512x64xf32, #tpu.memory_space<vmem>>, vector<1x16xf32>,
      %get3A_1300 = vector.shape_cast %get3A_1299 : vector<1x16xf32> to vector<16xf32>
      %add3A_1301 = arith.constant 11 : i32
      %add3A_1302 = arith.addi %mul3A_298, %add3A_1301 : i32
      %get3A_1303 = arith.index_cast %add3A_1302 : i32 to index
      %get3A_1304 = arith.constant 32 : index
      %get3A_1305 = tpu.vector_load %arg12[%get3A_1303, %get3A_1304] {strides = array<i32>} : memref<512x64xf32, #tpu.memory_space<vmem>>, vector<1x16xf32>,
      %get3A_1306 = vector.shape_cast %get3A_1305 : vector<1x16xf32> to vector<16xf32>
      %mul3A_1307 = arith.mulf %get3A_1300, %get3A_1306 : vector<16xf32>
      %add3A_1308 = arith.addf %add3A_1294, %mul3A_1307 : vector<16xf32>
      %add3A_1309 = arith.constant 11 : i32
      %add3A_1310 = arith.addi %mul3A_298, %add3A_1309 : i32
      %get3A_1311 = arith.index_cast %add3A_1310 : i32 to index
      %get3A_1312 = arith.constant 48 : index
      %get3A_1313 = tpu.vector_load %arg11[%get3A_1311, %get3A_1312] {strides = array<i32>} : memref<512x64xf32, #tpu.memory_space<vmem>>, vector<1x16xf32>,
      %get3A_1314 = vector.shape_cast %get3A_1313 : vector<1x16xf32> to vector<16xf32>
      %add3A_1315 = arith.constant 11 : i32
      %add3A_1316 = arith.addi %mul3A_298, %add3A_1315 : i32
      %get3A_1317 = arith.index_cast %add3A_1316 : i32 to index
      %get3A_1318 = arith.constant 48 : index
      %get3A_1319 = tpu.vector_load %arg12[%get3A_1317, %get3A_1318] {strides = array<i32>} : memref<512x64xf32, #tpu.memory_space<vmem>>, vector<1x16xf32>,
      %get3A_1320 = vector.shape_cast %get3A_1319 : vector<1x16xf32> to vector<16xf32>
      %mul3A_1321 = arith.mulf %get3A_1314, %get3A_1320 : vector<16xf32>
      %add3A_1322 = arith.addf %add3A_1308, %mul3A_1321 : vector<16xf32>
      %xor3A_1323 = arith.constant 1 : i32
      %xor3A_1324 = vector.broadcast %xor3A_1323 : i32 to vector<16xi32>
      %xor3A_1325 = arith.xori %iota3A, %xor3A_1324 : vector<16xi32>
      %broadcast_in_dim3A_1326 = vector.shape_cast %xor3A_1325 : vector<16xi32> to vector<16x1xi32>
      %gather3A_1327 = vector.shape_cast %broadcast_in_dim3A_1326 : vector<16x1xi32> to vector<16xi32>
      %gather3A_1328 = tpu.dynamic_gather %add3A_1322[%gather3A_1327] in [0] : vector<16xf32>, vector<16xi32> -> vector<16xf32>
      %add3A_1329 = arith.addf %add3A_1322, %gather3A_1328 : vector<16xf32>
      %xor3A_1330 = arith.constant 2 : i32
      %xor3A_1331 = vector.broadcast %xor3A_1330 : i32 to vector<16xi32>
      %xor3A_1332 = arith.xori %iota3A, %xor3A_1331 : vector<16xi32>
      %broadcast_in_dim3A_1333 = vector.shape_cast %xor3A_1332 : vector<16xi32> to vector<16x1xi32>
      %gather3A_1334 = vector.shape_cast %broadcast_in_dim3A_1333 : vector<16x1xi32> to vector<16xi32>
      %gather3A_1335 = tpu.dynamic_gather %add3A_1329[%gather3A_1334] in [0] : vector<16xf32>, vector<16xi32> -> vector<16xf32>
      %add3A_1336 = arith.addf %add3A_1329, %gather3A_1335 : vector<16xf32>
      %xor3A_1337 = arith.constant 4 : i32
      %xor3A_1338 = vector.broadcast %xor3A_1337 : i32 to vector<16xi32>
      %xor3A_1339 = arith.xori %iota3A, %xor3A_1338 : vector<16xi32>
      %broadcast_in_dim3A_1340 = vector.shape_cast %xor3A_1339 : vector<16xi32> to vector<16x1xi32>
      %gather3A_1341 = vector.shape_cast %broadcast_in_dim3A_1340 : vector<16x1xi32> to vector<16xi32>
      %gather3A_1342 = tpu.dynamic_gather %add3A_1336[%gather3A_1341] in [0] : vector<16xf32>, vector<16xi32> -> vector<16xf32>
      %add3A_1343 = arith.addf %add3A_1336, %gather3A_1342 : vector<16xf32>
      %xor3A_1344 = arith.constant 8 : i32
      %xor3A_1345 = vector.broadcast %xor3A_1344 : i32 to vector<16xi32>
      %xor3A_1346 = arith.xori %iota3A, %xor3A_1345 : vector<16xi32>
      %broadcast_in_dim3A_1347 = vector.shape_cast %xor3A_1346 : vector<16xi32> to vector<16x1xi32>
      %gather3A_1348 = vector.shape_cast %broadcast_in_dim3A_1347 : vector<16x1xi32> to vector<16xi32>
      %gather3A_1349 = tpu.dynamic_gather %add3A_1343[%gather3A_1348] in [0] : vector<16xf32>, vector<16xi32> -> vector<16xf32>
      %add3A_1350 = arith.addf %add3A_1343, %gather3A_1349 : vector<16xf32>
      %eq3A_1351 = arith.constant 11 : i32
      %eq3A_1352 = vector.broadcast %eq3A_1351 : i32 to vector<16xi32>
      %eq3A_1353 = arith.cmpi eq, %iota3A, %eq3A_1352 : vector<16xi32>
      %add3A_1354 = arith.addf %select_n3A_1267, %add3A_1350 : vector<16xf32>
      %select_n3A_1355 = arith.select %eq3A_1353, %add3A_1354, %select_n3A_1267 : vector<16xi1>, vector<16xf32>
      %add3A_1356 = arith.constant 12 : i32
      %add3A_1357 = arith.addi %mul3A_298, %add3A_1356 : i32
      %get3A_1358 = arith.index_cast %add3A_1357 : i32 to index
      %get3A_1359 = arith.constant 0 : index
      %get3A_1360 = tpu.vector_load %arg11[%get3A_1358, %get3A_1359] {strides = array<i32>} : memref<512x64xf32, #tpu.memory_space<vmem>>, vector<1x16xf32>,
      %get3A_1361 = vector.shape_cast %get3A_1360 : vector<1x16xf32> to vector<16xf32>
      %add3A_1362 = arith.constant 12 : i32
      %add3A_1363 = arith.addi %mul3A_298, %add3A_1362 : i32
      %get3A_1364 = arith.index_cast %add3A_1363 : i32 to index
      %get3A_1365 = arith.constant 0 : index
      %get3A_1366 = tpu.vector_load %arg12[%get3A_1364, %get3A_1365] {strides = array<i32>} : memref<512x64xf32, #tpu.memory_space<vmem>>, vector<1x16xf32>,
      %get3A_1367 = vector.shape_cast %get3A_1366 : vector<1x16xf32> to vector<16xf32>
      %mul3A_1368 = arith.mulf %get3A_1361, %get3A_1367 : vector<16xf32>
      %add3A_1369 = arith.constant 12 : i32
      %add3A_1370 = arith.addi %mul3A_298, %add3A_1369 : i32
      %get3A_1371 = arith.index_cast %add3A_1370 : i32 to index
      %get3A_1372 = arith.constant 16 : index
      %get3A_1373 = tpu.vector_load %arg11[%get3A_1371, %get3A_1372] {strides = array<i32>} : memref<512x64xf32, #tpu.memory_space<vmem>>, vector<1x16xf32>,
      %get3A_1374 = vector.shape_cast %get3A_1373 : vector<1x16xf32> to vector<16xf32>
      %add3A_1375 = arith.constant 12 : i32
      %add3A_1376 = arith.addi %mul3A_298, %add3A_1375 : i32
      %get3A_1377 = arith.index_cast %add3A_1376 : i32 to index
      %get3A_1378 = arith.constant 16 : index
      %get3A_1379 = tpu.vector_load %arg12[%get3A_1377, %get3A_1378] {strides = array<i32>} : memref<512x64xf32, #tpu.memory_space<vmem>>, vector<1x16xf32>,
      %get3A_1380 = vector.shape_cast %get3A_1379 : vector<1x16xf32> to vector<16xf32>
      %mul3A_1381 = arith.mulf %get3A_1374, %get3A_1380 : vector<16xf32>
      %add3A_1382 = arith.addf %mul3A_1368, %mul3A_1381 : vector<16xf32>
      %add3A_1383 = arith.constant 12 : i32
      %add3A_1384 = arith.addi %mul3A_298, %add3A_1383 : i32
      %get3A_1385 = arith.index_cast %add3A_1384 : i32 to index
      %get3A_1386 = arith.constant 32 : index
      %get3A_1387 = tpu.vector_load %arg11[%get3A_1385, %get3A_1386] {strides = array<i32>} : memref<512x64xf32, #tpu.memory_space<vmem>>, vector<1x16xf32>,
      %get3A_1388 = vector.shape_cast %get3A_1387 : vector<1x16xf32> to vector<16xf32>
      %add3A_1389 = arith.constant 12 : i32
      %add3A_1390 = arith.addi %mul3A_298, %add3A_1389 : i32
      %get3A_1391 = arith.index_cast %add3A_1390 : i32 to index
      %get3A_1392 = arith.constant 32 : index
      %get3A_1393 = tpu.vector_load %arg12[%get3A_1391, %get3A_1392] {strides = array<i32>} : memref<512x64xf32, #tpu.memory_space<vmem>>, vector<1x16xf32>,
      %get3A_1394 = vector.shape_cast %get3A_1393 : vector<1x16xf32> to vector<16xf32>
      %mul3A_1395 = arith.mulf %get3A_1388, %get3A_1394 : vector<16xf32>
      %add3A_1396 = arith.addf %add3A_1382, %mul3A_1395 : vector<16xf32>
      %add3A_1397 = arith.constant 12 : i32
      %add3A_1398 = arith.addi %mul3A_298, %add3A_1397 : i32
      %get3A_1399 = arith.index_cast %add3A_1398 : i32 to index
      %get3A_1400 = arith.constant 48 : index
      %get3A_1401 = tpu.vector_load %arg11[%get3A_1399, %get3A_1400] {strides = array<i32>} : memref<512x64xf32, #tpu.memory_space<vmem>>, vector<1x16xf32>,
      %get3A_1402 = vector.shape_cast %get3A_1401 : vector<1x16xf32> to vector<16xf32>
      %add3A_1403 = arith.constant 12 : i32
      %add3A_1404 = arith.addi %mul3A_298, %add3A_1403 : i32
      %get3A_1405 = arith.index_cast %add3A_1404 : i32 to index
      %get3A_1406 = arith.constant 48 : index
      %get3A_1407 = tpu.vector_load %arg12[%get3A_1405, %get3A_1406] {strides = array<i32>} : memref<512x64xf32, #tpu.memory_space<vmem>>, vector<1x16xf32>,
      %get3A_1408 = vector.shape_cast %get3A_1407 : vector<1x16xf32> to vector<16xf32>
      %mul3A_1409 = arith.mulf %get3A_1402, %get3A_1408 : vector<16xf32>
      %add3A_1410 = arith.addf %add3A_1396, %mul3A_1409 : vector<16xf32>
      %xor3A_1411 = arith.constant 1 : i32
      %xor3A_1412 = vector.broadcast %xor3A_1411 : i32 to vector<16xi32>
      %xor3A_1413 = arith.xori %iota3A, %xor3A_1412 : vector<16xi32>
      %broadcast_in_dim3A_1414 = vector.shape_cast %xor3A_1413 : vector<16xi32> to vector<16x1xi32>
      %gather3A_1415 = vector.shape_cast %broadcast_in_dim3A_1414 : vector<16x1xi32> to vector<16xi32>
      %gather3A_1416 = tpu.dynamic_gather %add3A_1410[%gather3A_1415] in [0] : vector<16xf32>, vector<16xi32> -> vector<16xf32>
      %add3A_1417 = arith.addf %add3A_1410, %gather3A_1416 : vector<16xf32>
      %xor3A_1418 = arith.constant 2 : i32
      %xor3A_1419 = vector.broadcast %xor3A_1418 : i32 to vector<16xi32>
      %xor3A_1420 = arith.xori %iota3A, %xor3A_1419 : vector<16xi32>
      %broadcast_in_dim3A_1421 = vector.shape_cast %xor3A_1420 : vector<16xi32> to vector<16x1xi32>
      %gather3A_1422 = vector.shape_cast %broadcast_in_dim3A_1421 : vector<16x1xi32> to vector<16xi32>
      %gather3A_1423 = tpu.dynamic_gather %add3A_1417[%gather3A_1422] in [0] : vector<16xf32>, vector<16xi32> -> vector<16xf32>
      %add3A_1424 = arith.addf %add3A_1417, %gather3A_1423 : vector<16xf32>
      %xor3A_1425 = arith.constant 4 : i32
      %xor3A_1426 = vector.broadcast %xor3A_1425 : i32 to vector<16xi32>
      %xor3A_1427 = arith.xori %iota3A, %xor3A_1426 : vector<16xi32>
      %broadcast_in_dim3A_1428 = vector.shape_cast %xor3A_1427 : vector<16xi32> to vector<16x1xi32>
      %gather3A_1429 = vector.shape_cast %broadcast_in_dim3A_1428 : vector<16x1xi32> to vector<16xi32>
      %gather3A_1430 = tpu.dynamic_gather %add3A_1424[%gather3A_1429] in [0] : vector<16xf32>, vector<16xi32> -> vector<16xf32>
      %add3A_1431 = arith.addf %add3A_1424, %gather3A_1430 : vector<16xf32>
      %xor3A_1432 = arith.constant 8 : i32
      %xor3A_1433 = vector.broadcast %xor3A_1432 : i32 to vector<16xi32>
      %xor3A_1434 = arith.xori %iota3A, %xor3A_1433 : vector<16xi32>
      %broadcast_in_dim3A_1435 = vector.shape_cast %xor3A_1434 : vector<16xi32> to vector<16x1xi32>
      %gather3A_1436 = vector.shape_cast %broadcast_in_dim3A_1435 : vector<16x1xi32> to vector<16xi32>
      %gather3A_1437 = tpu.dynamic_gather %add3A_1431[%gather3A_1436] in [0] : vector<16xf32>, vector<16xi32> -> vector<16xf32>
      %add3A_1438 = arith.addf %add3A_1431, %gather3A_1437 : vector<16xf32>
      %eq3A_1439 = arith.constant 12 : i32
      %eq3A_1440 = vector.broadcast %eq3A_1439 : i32 to vector<16xi32>
      %eq3A_1441 = arith.cmpi eq, %iota3A, %eq3A_1440 : vector<16xi32>
      %add3A_1442 = arith.addf %select_n3A_1355, %add3A_1438 : vector<16xf32>
      %select_n3A_1443 = arith.select %eq3A_1441, %add3A_1442, %select_n3A_1355 : vector<16xi1>, vector<16xf32>
      %add3A_1444 = arith.constant 13 : i32
      %add3A_1445 = arith.addi %mul3A_298, %add3A_1444 : i32
      %get3A_1446 = arith.index_cast %add3A_1445 : i32 to index
      %get3A_1447 = arith.constant 0 : index
      %get3A_1448 = tpu.vector_load %arg11[%get3A_1446, %get3A_1447] {strides = array<i32>} : memref<512x64xf32, #tpu.memory_space<vmem>>, vector<1x16xf32>,
      %get3A_1449 = vector.shape_cast %get3A_1448 : vector<1x16xf32> to vector<16xf32>
      %add3A_1450 = arith.constant 13 : i32
      %add3A_1451 = arith.addi %mul3A_298, %add3A_1450 : i32
      %get3A_1452 = arith.index_cast %add3A_1451 : i32 to index
      %get3A_1453 = arith.constant 0 : index
      %get3A_1454 = tpu.vector_load %arg12[%get3A_1452, %get3A_1453] {strides = array<i32>} : memref<512x64xf32, #tpu.memory_space<vmem>>, vector<1x16xf32>,
      %get3A_1455 = vector.shape_cast %get3A_1454 : vector<1x16xf32> to vector<16xf32>
      %mul3A_1456 = arith.mulf %get3A_1449, %get3A_1455 : vector<16xf32>
      %add3A_1457 = arith.constant 13 : i32
      %add3A_1458 = arith.addi %mul3A_298, %add3A_1457 : i32
      %get3A_1459 = arith.index_cast %add3A_1458 : i32 to index
      %get3A_1460 = arith.constant 16 : index
      %get3A_1461 = tpu.vector_load %arg11[%get3A_1459, %get3A_1460] {strides = array<i32>} : memref<512x64xf32, #tpu.memory_space<vmem>>, vector<1x16xf32>,
      %get3A_1462 = vector.shape_cast %get3A_1461 : vector<1x16xf32> to vector<16xf32>
      %add3A_1463 = arith.constant 13 : i32
      %add3A_1464 = arith.addi %mul3A_298, %add3A_1463 : i32
      %get3A_1465 = arith.index_cast %add3A_1464 : i32 to index
      %get3A_1466 = arith.constant 16 : index
      %get3A_1467 = tpu.vector_load %arg12[%get3A_1465, %get3A_1466] {strides = array<i32>} : memref<512x64xf32, #tpu.memory_space<vmem>>, vector<1x16xf32>,
      %get3A_1468 = vector.shape_cast %get3A_1467 : vector<1x16xf32> to vector<16xf32>
      %mul3A_1469 = arith.mulf %get3A_1462, %get3A_1468 : vector<16xf32>
      %add3A_1470 = arith.addf %mul3A_1456, %mul3A_1469 : vector<16xf32>
      %add3A_1471 = arith.constant 13 : i32
      %add3A_1472 = arith.addi %mul3A_298, %add3A_1471 : i32
      %get3A_1473 = arith.index_cast %add3A_1472 : i32 to index
      %get3A_1474 = arith.constant 32 : index
      %get3A_1475 = tpu.vector_load %arg11[%get3A_1473, %get3A_1474] {strides = array<i32>} : memref<512x64xf32, #tpu.memory_space<vmem>>, vector<1x16xf32>,
      %get3A_1476 = vector.shape_cast %get3A_1475 : vector<1x16xf32> to vector<16xf32>
      %add3A_1477 = arith.constant 13 : i32
      %add3A_1478 = arith.addi %mul3A_298, %add3A_1477 : i32
      %get3A_1479 = arith.index_cast %add3A_1478 : i32 to index
      %get3A_1480 = arith.constant 32 : index
      %get3A_1481 = tpu.vector_load %arg12[%get3A_1479, %get3A_1480] {strides = array<i32>} : memref<512x64xf32, #tpu.memory_space<vmem>>, vector<1x16xf32>,
      %get3A_1482 = vector.shape_cast %get3A_1481 : vector<1x16xf32> to vector<16xf32>
      %mul3A_1483 = arith.mulf %get3A_1476, %get3A_1482 : vector<16xf32>
      %add3A_1484 = arith.addf %add3A_1470, %mul3A_1483 : vector<16xf32>
      %add3A_1485 = arith.constant 13 : i32
      %add3A_1486 = arith.addi %mul3A_298, %add3A_1485 : i32
      %get3A_1487 = arith.index_cast %add3A_1486 : i32 to index
      %get3A_1488 = arith.constant 48 : index
      %get3A_1489 = tpu.vector_load %arg11[%get3A_1487, %get3A_1488] {strides = array<i32>} : memref<512x64xf32, #tpu.memory_space<vmem>>, vector<1x16xf32>,
      %get3A_1490 = vector.shape_cast %get3A_1489 : vector<1x16xf32> to vector<16xf32>
      %add3A_1491 = arith.constant 13 : i32
      %add3A_1492 = arith.addi %mul3A_298, %add3A_1491 : i32
      %get3A_1493 = arith.index_cast %add3A_1492 : i32 to index
      %get3A_1494 = arith.constant 48 : index
      %get3A_1495 = tpu.vector_load %arg12[%get3A_1493, %get3A_1494] {strides = array<i32>} : memref<512x64xf32, #tpu.memory_space<vmem>>, vector<1x16xf32>,
      %get3A_1496 = vector.shape_cast %get3A_1495 : vector<1x16xf32> to vector<16xf32>
      %mul3A_1497 = arith.mulf %get3A_1490, %get3A_1496 : vector<16xf32>
      %add3A_1498 = arith.addf %add3A_1484, %mul3A_1497 : vector<16xf32>
      %xor3A_1499 = arith.constant 1 : i32
      %xor3A_1500 = vector.broadcast %xor3A_1499 : i32 to vector<16xi32>
      %xor3A_1501 = arith.xori %iota3A, %xor3A_1500 : vector<16xi32>
      %broadcast_in_dim3A_1502 = vector.shape_cast %xor3A_1501 : vector<16xi32> to vector<16x1xi32>
      %gather3A_1503 = vector.shape_cast %broadcast_in_dim3A_1502 : vector<16x1xi32> to vector<16xi32>
      %gather3A_1504 = tpu.dynamic_gather %add3A_1498[%gather3A_1503] in [0] : vector<16xf32>, vector<16xi32> -> vector<16xf32>
      %add3A_1505 = arith.addf %add3A_1498, %gather3A_1504 : vector<16xf32>
      %xor3A_1506 = arith.constant 2 : i32
      %xor3A_1507 = vector.broadcast %xor3A_1506 : i32 to vector<16xi32>
      %xor3A_1508 = arith.xori %iota3A, %xor3A_1507 : vector<16xi32>
      %broadcast_in_dim3A_1509 = vector.shape_cast %xor3A_1508 : vector<16xi32> to vector<16x1xi32>
      %gather3A_1510 = vector.shape_cast %broadcast_in_dim3A_1509 : vector<16x1xi32> to vector<16xi32>
      %gather3A_1511 = tpu.dynamic_gather %add3A_1505[%gather3A_1510] in [0] : vector<16xf32>, vector<16xi32> -> vector<16xf32>
      %add3A_1512 = arith.addf %add3A_1505, %gather3A_1511 : vector<16xf32>
      %xor3A_1513 = arith.constant 4 : i32
      %xor3A_1514 = vector.broadcast %xor3A_1513 : i32 to vector<16xi32>
      %xor3A_1515 = arith.xori %iota3A, %xor3A_1514 : vector<16xi32>
      %broadcast_in_dim3A_1516 = vector.shape_cast %xor3A_1515 : vector<16xi32> to vector<16x1xi32>
      %gather3A_1517 = vector.shape_cast %broadcast_in_dim3A_1516 : vector<16x1xi32> to vector<16xi32>
      %gather3A_1518 = tpu.dynamic_gather %add3A_1512[%gather3A_1517] in [0] : vector<16xf32>, vector<16xi32> -> vector<16xf32>
      %add3A_1519 = arith.addf %add3A_1512, %gather3A_1518 : vector<16xf32>
      %xor3A_1520 = arith.constant 8 : i32
      %xor3A_1521 = vector.broadcast %xor3A_1520 : i32 to vector<16xi32>
      %xor3A_1522 = arith.xori %iota3A, %xor3A_1521 : vector<16xi32>
      %broadcast_in_dim3A_1523 = vector.shape_cast %xor3A_1522 : vector<16xi32> to vector<16x1xi32>
      %gather3A_1524 = vector.shape_cast %broadcast_in_dim3A_1523 : vector<16x1xi32> to vector<16xi32>
      %gather3A_1525 = tpu.dynamic_gather %add3A_1519[%gather3A_1524] in [0] : vector<16xf32>, vector<16xi32> -> vector<16xf32>
      %add3A_1526 = arith.addf %add3A_1519, %gather3A_1525 : vector<16xf32>
      %eq3A_1527 = arith.constant 13 : i32
      %eq3A_1528 = vector.broadcast %eq3A_1527 : i32 to vector<16xi32>
      %eq3A_1529 = arith.cmpi eq, %iota3A, %eq3A_1528 : vector<16xi32>
      %add3A_1530 = arith.addf %select_n3A_1443, %add3A_1526 : vector<16xf32>
      %select_n3A_1531 = arith.select %eq3A_1529, %add3A_1530, %select_n3A_1443 : vector<16xi1>, vector<16xf32>
      %add3A_1532 = arith.constant 14 : i32
      %add3A_1533 = arith.addi %mul3A_298, %add3A_1532 : i32
      %get3A_1534 = arith.index_cast %add3A_1533 : i32 to index
      %get3A_1535 = arith.constant 0 : index
      %get3A_1536 = tpu.vector_load %arg11[%get3A_1534, %get3A_1535] {strides = array<i32>} : memref<512x64xf32, #tpu.memory_space<vmem>>, vector<1x16xf32>,
      %get3A_1537 = vector.shape_cast %get3A_1536 : vector<1x16xf32> to vector<16xf32>
      %add3A_1538 = arith.constant 14 : i32
      %add3A_1539 = arith.addi %mul3A_298, %add3A_1538 : i32
      %get3A_1540 = arith.index_cast %add3A_1539 : i32 to index
      %get3A_1541 = arith.constant 0 : index
      %get3A_1542 = tpu.vector_load %arg12[%get3A_1540, %get3A_1541] {strides = array<i32>} : memref<512x64xf32, #tpu.memory_space<vmem>>, vector<1x16xf32>,
      %get3A_1543 = vector.shape_cast %get3A_1542 : vector<1x16xf32> to vector<16xf32>
      %mul3A_1544 = arith.mulf %get3A_1537, %get3A_1543 : vector<16xf32>
      %add3A_1545 = arith.constant 14 : i32
      %add3A_1546 = arith.addi %mul3A_298, %add3A_1545 : i32
      %get3A_1547 = arith.index_cast %add3A_1546 : i32 to index
      %get3A_1548 = arith.constant 16 : index
      %get3A_1549 = tpu.vector_load %arg11[%get3A_1547, %get3A_1548] {strides = array<i32>} : memref<512x64xf32, #tpu.memory_space<vmem>>, vector<1x16xf32>,
      %get3A_1550 = vector.shape_cast %get3A_1549 : vector<1x16xf32> to vector<16xf32>
      %add3A_1551 = arith.constant 14 : i32
      %add3A_1552 = arith.addi %mul3A_298, %add3A_1551 : i32
      %get3A_1553 = arith.index_cast %add3A_1552 : i32 to index
      %get3A_1554 = arith.constant 16 : index
      %get3A_1555 = tpu.vector_load %arg12[%get3A_1553, %get3A_1554] {strides = array<i32>} : memref<512x64xf32, #tpu.memory_space<vmem>>, vector<1x16xf32>,
      %get3A_1556 = vector.shape_cast %get3A_1555 : vector<1x16xf32> to vector<16xf32>
      %mul3A_1557 = arith.mulf %get3A_1550, %get3A_1556 : vector<16xf32>
      %add3A_1558 = arith.addf %mul3A_1544, %mul3A_1557 : vector<16xf32>
      %add3A_1559 = arith.constant 14 : i32
      %add3A_1560 = arith.addi %mul3A_298, %add3A_1559 : i32
      %get3A_1561 = arith.index_cast %add3A_1560 : i32 to index
      %get3A_1562 = arith.constant 32 : index
      %get3A_1563 = tpu.vector_load %arg11[%get3A_1561, %get3A_1562] {strides = array<i32>} : memref<512x64xf32, #tpu.memory_space<vmem>>, vector<1x16xf32>,
      %get3A_1564 = vector.shape_cast %get3A_1563 : vector<1x16xf32> to vector<16xf32>
      %add3A_1565 = arith.constant 14 : i32
      %add3A_1566 = arith.addi %mul3A_298, %add3A_1565 : i32
      %get3A_1567 = arith.index_cast %add3A_1566 : i32 to index
      %get3A_1568 = arith.constant 32 : index
      %get3A_1569 = tpu.vector_load %arg12[%get3A_1567, %get3A_1568] {strides = array<i32>} : memref<512x64xf32, #tpu.memory_space<vmem>>, vector<1x16xf32>,
      %get3A_1570 = vector.shape_cast %get3A_1569 : vector<1x16xf32> to vector<16xf32>
      %mul3A_1571 = arith.mulf %get3A_1564, %get3A_1570 : vector<16xf32>
      %add3A_1572 = arith.addf %add3A_1558, %mul3A_1571 : vector<16xf32>
      %add3A_1573 = arith.constant 14 : i32
      %add3A_1574 = arith.addi %mul3A_298, %add3A_1573 : i32
      %get3A_1575 = arith.index_cast %add3A_1574 : i32 to index
      %get3A_1576 = arith.constant 48 : index
      %get3A_1577 = tpu.vector_load %arg11[%get3A_1575, %get3A_1576] {strides = array<i32>} : memref<512x64xf32, #tpu.memory_space<vmem>>, vector<1x16xf32>,
      %get3A_1578 = vector.shape_cast %get3A_1577 : vector<1x16xf32> to vector<16xf32>
      %add3A_1579 = arith.constant 14 : i32
      %add3A_1580 = arith.addi %mul3A_298, %add3A_1579 : i32
      %get3A_1581 = arith.index_cast %add3A_1580 : i32 to index
      %get3A_1582 = arith.constant 48 : index
      %get3A_1583 = tpu.vector_load %arg12[%get3A_1581, %get3A_1582] {strides = array<i32>} : memref<512x64xf32, #tpu.memory_space<vmem>>, vector<1x16xf32>,
      %get3A_1584 = vector.shape_cast %get3A_1583 : vector<1x16xf32> to vector<16xf32>
      %mul3A_1585 = arith.mulf %get3A_1578, %get3A_1584 : vector<16xf32>
      %add3A_1586 = arith.addf %add3A_1572, %mul3A_1585 : vector<16xf32>
      %xor3A_1587 = arith.constant 1 : i32
      %xor3A_1588 = vector.broadcast %xor3A_1587 : i32 to vector<16xi32>
      %xor3A_1589 = arith.xori %iota3A, %xor3A_1588 : vector<16xi32>
      %broadcast_in_dim3A_1590 = vector.shape_cast %xor3A_1589 : vector<16xi32> to vector<16x1xi32>
      %gather3A_1591 = vector.shape_cast %broadcast_in_dim3A_1590 : vector<16x1xi32> to vector<16xi32>
      %gather3A_1592 = tpu.dynamic_gather %add3A_1586[%gather3A_1591] in [0] : vector<16xf32>, vector<16xi32> -> vector<16xf32>
      %add3A_1593 = arith.addf %add3A_1586, %gather3A_1592 : vector<16xf32>
      %xor3A_1594 = arith.constant 2 : i32
      %xor3A_1595 = vector.broadcast %xor3A_1594 : i32 to vector<16xi32>
      %xor3A_1596 = arith.xori %iota3A, %xor3A_1595 : vector<16xi32>
      %broadcast_in_dim3A_1597 = vector.shape_cast %xor3A_1596 : vector<16xi32> to vector<16x1xi32>
      %gather3A_1598 = vector.shape_cast %broadcast_in_dim3A_1597 : vector<16x1xi32> to vector<16xi32>
      %gather3A_1599 = tpu.dynamic_gather %add3A_1593[%gather3A_1598] in [0] : vector<16xf32>, vector<16xi32> -> vector<16xf32>
      %add3A_1600 = arith.addf %add3A_1593, %gather3A_1599 : vector<16xf32>
      %xor3A_1601 = arith.constant 4 : i32
      %xor3A_1602 = vector.broadcast %xor3A_1601 : i32 to vector<16xi32>
      %xor3A_1603 = arith.xori %iota3A, %xor3A_1602 : vector<16xi32>
      %broadcast_in_dim3A_1604 = vector.shape_cast %xor3A_1603 : vector<16xi32> to vector<16x1xi32>
      %gather3A_1605 = vector.shape_cast %broadcast_in_dim3A_1604 : vector<16x1xi32> to vector<16xi32>
      %gather3A_1606 = tpu.dynamic_gather %add3A_1600[%gather3A_1605] in [0] : vector<16xf32>, vector<16xi32> -> vector<16xf32>
      %add3A_1607 = arith.addf %add3A_1600, %gather3A_1606 : vector<16xf32>
      %xor3A_1608 = arith.constant 8 : i32
      %xor3A_1609 = vector.broadcast %xor3A_1608 : i32 to vector<16xi32>
      %xor3A_1610 = arith.xori %iota3A, %xor3A_1609 : vector<16xi32>
      %broadcast_in_dim3A_1611 = vector.shape_cast %xor3A_1610 : vector<16xi32> to vector<16x1xi32>
      %gather3A_1612 = vector.shape_cast %broadcast_in_dim3A_1611 : vector<16x1xi32> to vector<16xi32>
      %gather3A_1613 = tpu.dynamic_gather %add3A_1607[%gather3A_1612] in [0] : vector<16xf32>, vector<16xi32> -> vector<16xf32>
      %add3A_1614 = arith.addf %add3A_1607, %gather3A_1613 : vector<16xf32>
      %eq3A_1615 = arith.constant 14 : i32
      %eq3A_1616 = vector.broadcast %eq3A_1615 : i32 to vector<16xi32>
      %eq3A_1617 = arith.cmpi eq, %iota3A, %eq3A_1616 : vector<16xi32>
      %add3A_1618 = arith.addf %select_n3A_1531, %add3A_1614 : vector<16xf32>
      %select_n3A_1619 = arith.select %eq3A_1617, %add3A_1618, %select_n3A_1531 : vector<16xi1>, vector<16xf32>
      %add3A_1620 = arith.constant 15 : i32
      %add3A_1621 = arith.addi %mul3A_298, %add3A_1620 : i32
      %get3A_1622 = arith.index_cast %add3A_1621 : i32 to index
      %get3A_1623 = arith.constant 0 : index
      %get3A_1624 = tpu.vector_load %arg11[%get3A_1622, %get3A_1623] {strides = array<i32>} : memref<512x64xf32, #tpu.memory_space<vmem>>, vector<1x16xf32>,
      %get3A_1625 = vector.shape_cast %get3A_1624 : vector<1x16xf32> to vector<16xf32>
      %add3A_1626 = arith.constant 15 : i32
      %add3A_1627 = arith.addi %mul3A_298, %add3A_1626 : i32
      %get3A_1628 = arith.index_cast %add3A_1627 : i32 to index
      %get3A_1629 = arith.constant 0 : index
      %get3A_1630 = tpu.vector_load %arg12[%get3A_1628, %get3A_1629] {strides = array<i32>} : memref<512x64xf32, #tpu.memory_space<vmem>>, vector<1x16xf32>,
      %get3A_1631 = vector.shape_cast %get3A_1630 : vector<1x16xf32> to vector<16xf32>
      %mul3A_1632 = arith.mulf %get3A_1625, %get3A_1631 : vector<16xf32>
      %add3A_1633 = arith.constant 15 : i32
      %add3A_1634 = arith.addi %mul3A_298, %add3A_1633 : i32
      %get3A_1635 = arith.index_cast %add3A_1634 : i32 to index
      %get3A_1636 = arith.constant 16 : index
      %get3A_1637 = tpu.vector_load %arg11[%get3A_1635, %get3A_1636] {strides = array<i32>} : memref<512x64xf32, #tpu.memory_space<vmem>>, vector<1x16xf32>,
      %get3A_1638 = vector.shape_cast %get3A_1637 : vector<1x16xf32> to vector<16xf32>
      %add3A_1639 = arith.constant 15 : i32
      %add3A_1640 = arith.addi %mul3A_298, %add3A_1639 : i32
      %get3A_1641 = arith.index_cast %add3A_1640 : i32 to index
      %get3A_1642 = arith.constant 16 : index
      %get3A_1643 = tpu.vector_load %arg12[%get3A_1641, %get3A_1642] {strides = array<i32>} : memref<512x64xf32, #tpu.memory_space<vmem>>, vector<1x16xf32>,
      %get3A_1644 = vector.shape_cast %get3A_1643 : vector<1x16xf32> to vector<16xf32>
      %mul3A_1645 = arith.mulf %get3A_1638, %get3A_1644 : vector<16xf32>
      %add3A_1646 = arith.addf %mul3A_1632, %mul3A_1645 : vector<16xf32>
      %add3A_1647 = arith.constant 15 : i32
      %add3A_1648 = arith.addi %mul3A_298, %add3A_1647 : i32
      %get3A_1649 = arith.index_cast %add3A_1648 : i32 to index
      %get3A_1650 = arith.constant 32 : index
      %get3A_1651 = tpu.vector_load %arg11[%get3A_1649, %get3A_1650] {strides = array<i32>} : memref<512x64xf32, #tpu.memory_space<vmem>>, vector<1x16xf32>,
      %get3A_1652 = vector.shape_cast %get3A_1651 : vector<1x16xf32> to vector<16xf32>
      %add3A_1653 = arith.constant 15 : i32
      %add3A_1654 = arith.addi %mul3A_298, %add3A_1653 : i32
      %get3A_1655 = arith.index_cast %add3A_1654 : i32 to index
      %get3A_1656 = arith.constant 32 : index
      %get3A_1657 = tpu.vector_load %arg12[%get3A_1655, %get3A_1656] {strides = array<i32>} : memref<512x64xf32, #tpu.memory_space<vmem>>, vector<1x16xf32>,
      %get3A_1658 = vector.shape_cast %get3A_1657 : vector<1x16xf32> to vector<16xf32>
      %mul3A_1659 = arith.mulf %get3A_1652, %get3A_1658 : vector<16xf32>
      %add3A_1660 = arith.addf %add3A_1646, %mul3A_1659 : vector<16xf32>
      %add3A_1661 = arith.constant 15 : i32
      %add3A_1662 = arith.addi %mul3A_298, %add3A_1661 : i32
      %get3A_1663 = arith.index_cast %add3A_1662 : i32 to index
      %get3A_1664 = arith.constant 48 : index
      %get3A_1665 = tpu.vector_load %arg11[%get3A_1663, %get3A_1664] {strides = array<i32>} : memref<512x64xf32, #tpu.memory_space<vmem>>, vector<1x16xf32>,
      %get3A_1666 = vector.shape_cast %get3A_1665 : vector<1x16xf32> to vector<16xf32>
      %add3A_1667 = arith.constant 15 : i32
      %add3A_1668 = arith.addi %mul3A_298, %add3A_1667 : i32
      %get3A_1669 = arith.index_cast %add3A_1668 : i32 to index
      %get3A_1670 = arith.constant 48 : index
      %get3A_1671 = tpu.vector_load %arg12[%get3A_1669, %get3A_1670] {strides = array<i32>} : memref<512x64xf32, #tpu.memory_space<vmem>>, vector<1x16xf32>,
      %get3A_1672 = vector.shape_cast %get3A_1671 : vector<1x16xf32> to vector<16xf32>
      %mul3A_1673 = arith.mulf %get3A_1666, %get3A_1672 : vector<16xf32>
      %add3A_1674 = arith.addf %add3A_1660, %mul3A_1673 : vector<16xf32>
      %xor3A_1675 = arith.constant 1 : i32
      %xor3A_1676 = vector.broadcast %xor3A_1675 : i32 to vector<16xi32>
      %xor3A_1677 = arith.xori %iota3A, %xor3A_1676 : vector<16xi32>
      %broadcast_in_dim3A_1678 = vector.shape_cast %xor3A_1677 : vector<16xi32> to vector<16x1xi32>
      %gather3A_1679 = vector.shape_cast %broadcast_in_dim3A_1678 : vector<16x1xi32> to vector<16xi32>
      %gather3A_1680 = tpu.dynamic_gather %add3A_1674[%gather3A_1679] in [0] : vector<16xf32>, vector<16xi32> -> vector<16xf32>
      %add3A_1681 = arith.addf %add3A_1674, %gather3A_1680 : vector<16xf32>
      %xor3A_1682 = arith.constant 2 : i32
      %xor3A_1683 = vector.broadcast %xor3A_1682 : i32 to vector<16xi32>
      %xor3A_1684 = arith.xori %iota3A, %xor3A_1683 : vector<16xi32>
      %broadcast_in_dim3A_1685 = vector.shape_cast %xor3A_1684 : vector<16xi32> to vector<16x1xi32>
      %gather3A_1686 = vector.shape_cast %broadcast_in_dim3A_1685 : vector<16x1xi32> to vector<16xi32>
      %gather3A_1687 = tpu.dynamic_gather %add3A_1681[%gather3A_1686] in [0] : vector<16xf32>, vector<16xi32> -> vector<16xf32>
      %add3A_1688 = arith.addf %add3A_1681, %gather3A_1687 : vector<16xf32>
      %xor3A_1689 = arith.constant 4 : i32
      %xor3A_1690 = vector.broadcast %xor3A_1689 : i32 to vector<16xi32>
      %xor3A_1691 = arith.xori %iota3A, %xor3A_1690 : vector<16xi32>
      %broadcast_in_dim3A_1692 = vector.shape_cast %xor3A_1691 : vector<16xi32> to vector<16x1xi32>
      %gather3A_1693 = vector.shape_cast %broadcast_in_dim3A_1692 : vector<16x1xi32> to vector<16xi32>
      %gather3A_1694 = tpu.dynamic_gather %add3A_1688[%gather3A_1693] in [0] : vector<16xf32>, vector<16xi32> -> vector<16xf32>
      %add3A_1695 = arith.addf %add3A_1688, %gather3A_1694 : vector<16xf32>
      %xor3A_1696 = arith.constant 8 : i32
      %xor3A_1697 = vector.broadcast %xor3A_1696 : i32 to vector<16xi32>
      %xor3A_1698 = arith.xori %iota3A, %xor3A_1697 : vector<16xi32>
      %broadcast_in_dim3A_1699 = vector.shape_cast %xor3A_1698 : vector<16xi32> to vector<16x1xi32>
      %gather3A_1700 = vector.shape_cast %broadcast_in_dim3A_1699 : vector<16x1xi32> to vector<16xi32>
      %gather3A_1701 = tpu.dynamic_gather %add3A_1695[%gather3A_1700] in [0] : vector<16xf32>, vector<16xi32> -> vector<16xf32>
      %add3A_1702 = arith.addf %add3A_1695, %gather3A_1701 : vector<16xf32>
      %eq3A_1703 = arith.constant 15 : i32
      %eq3A_1704 = vector.broadcast %eq3A_1703 : i32 to vector<16xi32>
      %eq3A_1705 = arith.cmpi eq, %iota3A, %eq3A_1704 : vector<16xi32>
      %add3A_1706 = arith.addf %select_n3A_1619, %add3A_1702 : vector<16xf32>
      %select_n3A_1707 = arith.select %eq3A_1705, %add3A_1706, %select_n3A_1619 : vector<16xi1>, vector<16xf32>
      %swap3A = arith.index_cast %mul3A_298 : i32 to index
      %swap3A_1708 = tpu.vector_load %arg15[%swap3A] {strides = array<i32>} : memref<512xf32, #tpu.memory_space<vmem>>, vector<16xf32>,
      %swap3A_1709 = vector.shape_cast %swap3A_1708 : vector<16xf32> to vector<16xf32>
      %swap3A_1710 = vector.shape_cast %select_n3A_1707 : vector<16xf32> to vector<16xf32>
      tpu.vector_store %arg15[%swap3A], %swap3A_1710 {strides = array<i32>} : memref<512xf32, #tpu.memory_space<vmem>>, vector<16xf32>,
    }
    %scan3A_295 = arith.constant 32 : i32
    "tpu.region"() ({
      %run_scoped3A = tpu.sem_alloc : memref<!tpu.dma_semaphore, #tpu.memory_space<semaphore_mem>>
      %dma_start3A_296 = tpu.memref_slice %arg8[%mul3A_2] : memref<16384xf32, #tpu.memory_space<hbm>> -> memref<512xf32, #tpu.memory_space<hbm>>
      %dma_start3A_297 = tpu.memref_slice %arg8[%mul3A_2] : memref<16384xf32, #tpu.memory_space<hbm>> -> memref<512xf32, #tpu.memory_space<hbm>>
      tpu.enqueue_dma source(%arg15 : memref<512xf32, #tpu.memory_space<vmem>>) target(%dma_start3A_297 : memref<512xf32, #tpu.memory_space<hbm>>) target_semaphore(%run_scoped3A : memref<!tpu.dma_semaphore, #tpu.memory_space<semaphore_mem>>)
      %dma_wait3A_298 = tpu.memref_slice %arg8[%mul3A_2] : memref<16384xf32, #tpu.memory_space<hbm>> -> memref<512xf32, #tpu.memory_space<hbm>>
      %dma_wait3A_299 = tpu.memref_slice %arg8[%mul3A_2] : memref<16384xf32, #tpu.memory_space<hbm>> -> memref<512xf32, #tpu.memory_space<hbm>>
      tpu.wait_dma2 semaphore(%run_scoped3A : memref<!tpu.dma_semaphore, #tpu.memory_space<semaphore_mem>>) src(%arg15 : memref<512xf32, #tpu.memory_space<vmem>>) dst(%dma_wait3A_299 : memref<512xf32, #tpu.memory_space<hbm>>)
      tpu.yield
    }) : () -> ()
    return
  }
}

</mosaic_0001>

<sc_bundles>
// kernel: kernel.3.cloned.1.call-start
scs
__scs_entry_jumppad:
0x0: {  	(pc) =	sbr.rel $0x88, $3  }
0x1: {  	(tag) =	ssettag $0x0;
	lr =	simm.s32 $0x1  }
0x2: {  	[smem:$0x3F9B] =	sst lr;
	_ =	strace $0xD0000000  }
0x3: {  	_ = 	snop  }
0x4: {  	_ = 	snop  }
0x5: {  	_ = 	snop  }
0x6: {  	_ = 	snop  }
0x7: {  	_ = 	snop  }
__scs_overlays_trampoline_lowered:
0x8: {  	[smem:$0x3FAA] =	sst s0  }
0x9: {  	[smem:$0x3FAB] =	sst s1  }
0xa: {  	[smem:$0x3FAC] =	sst s2  }
0xb: {  	[smem:$0x3FAD] =	sst s3  }
0xc: {  	[smem:$0x3FAE] =	sst s4  }
0xd: {  	[smem:$0x3FAF] =	sst s5  }
0xe: {  	[smem:$0x3FB0] =	sst s6  }
0xf: {  	[smem:$0x3FB1] =	sst s7  }
0x10: {  	[smem:$0x3FB2] =	sst s8  }
0x11: {  	[smem:$0x3FB3] =	sst s9;
	s0 =	simm.s32 @!p0 $0x0  }
0x12: {  	s1 =	sld [smem:$0x3F99];
	s0 =	simm.s32 @p0 $0x1  }
0x13: {  	[smem:$0x3FB4] =	sst s0;
	s0 =	simm.s32 @!p1 $0x0  }
0x14: {  	s2 =	sld [smem:$0x3F98];
	s0 =	simm.s32 @p1 $0x1  }
0x15: {  	[smem:$0x3FB5] =	sst s0;
	s0 =	simm.s32 @!p2 $0x0  }
0x16: {  	s3 =	sld [smem:$0x3FDB];
	s0 =	simm.s32 @p2 $0x1  }
0x17: {  	s4 =	simm.s32 $0x1BF5;
	[smem:$0x3FB7] =	sst s0  }
0x18: {  	s0 =	sld [smem:$0x3F9A];
	_ =	swait.ge [sflag:s4], $0x0  }
0x19: {  	s7 =	sld [smem:$0x3F9B]  }
0x1a: {  	s8 =	sadd.s32 $0xFFFFE003, lr  }
0x1b: {  	s9 =	sadd.s32 $0xFFFFFEF7, lr;
	s5 =	simm.s32 $0xFFFFFFFF;
	p2 =	slt.u32 s8, $0xFFFFF086  }
0x1c: {  	p1 =	slt.u32 s9, $0xF7A;
	s5 =	simm.s32 @!p2 $0x0  }
0x1d: {  	s5 =	simm.s32 @p1 $0x1;
	p0 =	seq.s32 s7, s2  }
0x1e: {  	s7 =	smul.u32 @!p0 $0xF7A, s2;
	p2 =	seq.s32 @!p0 s5, $0x0  }
0x1f: {  	s9 =	smul.u32 $0xF7A, s1;
	s8 =	simm.s32 @!p0 $0x1BF5;
	p2 =	por !p2, p0  }
0x20: {  	[sflag:s8] =	ssyncset.s32 @!p0 $0xFFFFF086;
	s6 =	sadd.s32 @!p0 s3, s7;
	s7 =	simm.s32 @!p0 $0x108  }
0x21: {  	s3 =	sadd.s32 s3, s9;
	s6 =	sadd.s32 @!p0 $0x88, s6;
	s7 =	simm.s32 @p2 $0x1082  }
0x22: {  	[simem:s7], [sflag:s8] =	dma.local @!p0 [hbm:s6], $0xF7A  }
0x23: {  	s9 =	sor.u32 $0xD0000000, s2;
	s6 =	simm.s32 $0x108;
	_ =	swait.ge @!p0 [sflag:s8], $0x0  }
0x24: {  	s3 =	sadd.s32 $0x88, s3;
	s6 =	simm.s32 @!p1 $0x1082;
	[sflag:s4] =	ssyncset.s32 $0xFFFFF086  }
0x25: {  	[simem:s6], [sflag:s4] =	dma.local [hbm:s3], $0xF7A  }
0x26: {  	[smem:$0x3F9B] =	sst s1;
	(tag) =	ssettag s2;
	_ =	strace s9  }
0x27: {  	s1 =	sld [smem:$0x3FAB]  }
0x28: {  	s2 =	sld [smem:$0x3FAC]  }
0x29: {  	s4 =	sld [smem:$0x3FAE]  }
0x2a: {  	p0 =	seq.s32 s5, $0x0;
	s5 =	sld [smem:$0x3FAF]  }
0x2b: {  	s6 =	sld [smem:$0x3FB0]  }
0x2c: {  	s7 =	sld [smem:$0x3FB1]  }
0x2d: {  	s3 =	simm.s32 $0x108;
	s8 =	sld [smem:$0x3FB2]  }
0x2e: {  	s3 =	simm.s32 @!p0 $0x1082;
	s9 =	sld [smem:$0x3FB3]  }
0x2f: {  	lr =	sadd.s32 s0, s3;
	s0 =	sld [smem:$0x3FAA]  }
0x30: {  	s3 =	sld [smem:$0x3FAD]  }
0x31: {  	[smem:$0x3FB6] =	sst s10  }
0x32: {  	s10 =	sld [smem:$0x3FB4];
	_ =	sdelay $0x3  }
0x33: {  	p0 =	seq.s32 s10, $0x1;
	s10 =	sld [smem:$0x3FB6];
	_ =	sdelay $0x3  }
0x34: {  	[smem:$0x3FB6] =	sst s10  }
0x35: {  	s10 =	sld [smem:$0x3FB5];
	_ =	sdelay $0x3  }
0x36: {  	p1 =	seq.s32 s10, $0x1;
	s10 =	sld [smem:$0x3FB6];
	_ =	sdelay $0x3  }
0x37: {  	[smem:$0x3FB6] =	sst s10  }
0x38: {  	s10 =	sld [smem:$0x3FB7]  }
0x39: {  	_ = 	snop;
	(pc) =	sbr.ind lr, $3  }
0x3a: {  	_ = 	snop  }
0x3b: {  	_ = 	snop  }
0x3c: {  	p2 =	seq.s32 s10, $0x1;
	s10 =	sld [smem:$0x3FB6]  }
0x3d: {  	_ =	shalt  }
0x3e: {  	_ =	shalt  }
0x3f: {  	_ =	shalt  }
0x40: {  	_ =	shalt  }
0x41: {  	_ =	shalt  }
0x42: {  	_ =	shalt  }
0x43: {  	_ =	shalt  }
0x44: {  	_ =	shalt  }
0x45: {  	_ =	shalt  }
0x46: {  	_ =	shalt  }
0x47: {  	_ =	shalt  }
0x48: {  	_ =	shalt  }
0x49: {  	_ =	shalt  }
0x4a: {  	_ =	shalt  }
0x4b: {  	_ =	shalt  }
0x4c: {  	_ =	shalt  }
0x4d: {  	_ =	shalt  }
0x4e: {  	_ =	shalt  }
0x4f: {  	_ =	shalt  }
0x50: {  	_ =	shalt  }
0x51: {  	_ =	shalt  }
0x52: {  	_ =	shalt  }
0x53: {  	_ =	shalt  }
0x54: {  	_ =	shalt  }
0x55: {  	_ =	shalt  }
0x56: {  	_ =	shalt  }
0x57: {  	_ =	shalt  }
0x58: {  	_ =	shalt  }
0x59: {  	_ =	shalt  }
0x5a: {  	_ =	shalt  }
0x5b: {  	_ =	shalt  }
0x5c: {  	_ =	shalt  }
0x5d: {  	_ =	shalt  }
0x5e: {  	_ =	shalt  }
0x5f: {  	_ =	shalt  }
0x60: {  	_ =	shalt  }
0x61: {  	_ =	shalt  }
0x62: {  	_ =	shalt  }
0x63: {  	_ =	shalt  }
0x64: {  	_ =	shalt  }
0x65: {  	_ =	shalt  }
0x66: {  	_ =	shalt  }
0x67: {  	_ =	shalt  }
0x68: {  	_ =	shalt  }
0x69: {  	_ =	shalt  }
0x6a: {  	_ =	shalt  }
0x6b: {  	_ =	shalt  }
0x6c: {  	_ =	shalt  }
0x6d: {  	_ =	shalt  }
0x6e: {  	_ =	shalt  }
0x6f: {  	_ =	shalt  }
0x70: {  	_ =	shalt  }
0x71: {  	_ =	shalt  }
0x72: {  	_ =	shalt  }
0x73: {  	_ =	shalt  }
0x74: {  	_ =	shalt  }
0x75: {  	_ =	shalt  }
0x76: {  	_ =	shalt  }
0x77: {  	_ =	shalt  }
0x78: {  	_ =	shalt  }
0x79: {  	_ =	shalt  }
0x7a: {  	_ =	shalt  }
0x7b: {  	_ =	shalt  }
0x7c: {  	_ =	shalt  }
0x7d: {  	_ =	shalt  }
0x7e: {  	_ =	shalt  }
0x7f: {  	_ =	shalt  }
0x80: {  	_ =	shalt  }
0x81: {  	_ =	shalt  }
0x82: {  	_ =	shalt  }
0x83: {  	_ =	shalt  }
0x84: {  	_ =	shalt  }
0x85: {  	_ =	shalt  }
0x86: {  	_ =	shalt  }
0x87: {  	_ =	shalt  }
.Lfunc_end0:
.L_simem_size_0:
called_computation_lowered:
.L_overlay_start_0:
0x88: {  	s2 =	sld [smem:$0x3FD9]  }
0x89: {  	s3 =	sld [smem:$0x3FFE];
	_ =	sdelay $0x1  }
0x8a: {  	s1 =	srdreg.scid  }
0x8b: {  	s0 =	sand.u32 $0x1, s1  }
0x8c: {  	s17 =	sshll.u32 s0, $0xA;
	s2 =	sadd.s32 s3, s2  }
0x8d: {  	s2 =	sadd.s32 s2, s17  }
0x8e: {  	[smem:$0x3FC2] =	sst s2  }
0x8f: {  	_ = 	snop  }
0x90: {  	s2 =	sld [smem:$0x3FC9]  }
0x91: {  	s18 =	sld [smem:$0x3FC8]  }
0x92: {  	s4 =	sld [smem:$0x3FD0];
	(tm) =	ssettm $0x1  }
0x93: {  	s5 =	sld [smem:$0x3FFB];
	_ =	sdelay $0x3  }
0x94: {  	_ =	strace s5  }
0x95: {  	s5 =	sld [smem:$0x3FFC];
	_ =	sdelay $0x3  }
0x96: {  	_ =	strace s5  }
0x97: {  	s5 =	sld [smem:$0x3FFD];
	_ =	sdelay $0x3  }
0x98: {  	_ =	strace s5  }
0x99: {  	_ =	strace $0x8FFFFFFF  }
0x9a: {  	s19 =	sld [smem:$0x3FDB];
	_ =	sdelay $0x1  }
0x9b: {  	s6 =	simm.s32 $_scs_section_size  }
0x9c: {  	s7 =	simm.s32 $_size__tile_overlayer_lowered;
	s8 =	simm.s32 $_tile_overlayer_lowered  }
0x9d: {  	s22 =	simm.s32 $0x1BFF;
	s21 =	sshll.u32 s8, $0x1;
	s5 =	sadd.s32 s6, s19  }
0x9e: {  	s9 =	simm.s32 $0x0;
	s20 =	sshll.u32 s7, $0x1;
	s7 =	sadd.s32 s21, s5  }
0x9f: {  	[timem:s9], [sflag:s22] =	dma.local [hbm:s7], s20  }
0xa0: {  	_ =	swait.ge [sflag:s22], s20  }
0xa1: {  	s6 =	ssub.s32 $0x0, s20;
	[sflag:s22] =	ssyncset.done $0x0  }
0xa2: {  	[sflag:s22] =	ssyncadd.s32 s6;
	_ =	sdelay $0x1  }
0xa3: {  	s23 =	simm.s32 $0x1B8B  }
0xa4: {  	_ =	swait.ge [sflag:s23], $0x1  }
0xa5: {  	[sflag:s23] =	ssyncset.done $0x0  }
0xa6: {  	s25 =	simm.s32 $0x1B8E;
	s24 =	sld [smem:$0x3FFE];
	[sflag:s23] =	ssyncadd.s32 $0xFFFFFFFF  }
0xa7: {  	s26 =	simm.s32 $execute0_lowered;
	[smem:$0x3FD2] =	sst s25  }
0xa8: {  	s7 =	sshll.u32 s26, $0x1;
	_ =	strace $0x80000046;
	[dreg:$0x1] =	wrdreg $0xFFFFFFFF  }
0xa9: {  	s28 =	simm.s32 $_size_execute0_lowered;
	s5 =	sadd.s32 s5, s7;
	[dreg:$0x0] =	wrdreg $0x0  }
0xaa: {  	s7 =	sshll.u32 s28, $0x1;
	[dreg:$0x2] =	wrdreg s5  }
0xab: {  	[dreg:$0x3] =	wrdreg s7  }
0xac: {  	[dreg:$0x4] =	wrdreg $0xC0  }
0xad: {  	_ =	task [dreg:s9], $0x5FFFF  }
0xae: {  	[dreg:$0x1] =	wrdreg $0xFFFFFFFF  }
0xaf: {  	[dreg:$0x0] =	wrdreg $0x60  }
0xb0: {  	[dreg:$0x2] =	wrdreg s2  }
0xb1: {  	[dreg:$0x3] =	wrdreg s18  }
0xb2: {  	[dreg:$0x4] =	wrdreg s24  }
0xb3: {  	[dreg:$0x5] =	wrdreg s4  }
0xb4: {  	[dreg:$0x6] =	wrdreg $0x9  }
0xb5: {  	_ =	task.clear_ibuf [dreg:s9], $0x7FFFF;
	_ =	strace $0x90000046  }
0xb6: {  	s29 =	simm.s32 $0x9;
	_ =	strace $0x80000048  }
0xb7: {  	_ =	swait.ge [sflag:s29], $0x1  }
0xb8: {  	[sflag:s29] =	ssyncadd.s32 $0xFFFFFFFF  }
0xb9: {  	_ =	strace $0x90000048  }
0xba: {  	_ =	sfence  }
0xbb: {  	s30 =	sld [smem:$0x0];
	_ =	sdelay $0x2  }
0xbc: {  	s31 =	sshll.u32 s1, $0xD;
	s1 =	sshrl.u32 s1, $0x2  }
0xbd: {  	s3 =	sand.u32 $0x4000, s31;
	s1 =	sadd.s32 s1, s30  }
0xbe: {  	s0 =	sor.u32 s3, s0;
	s1 =	sshll.u32 s1, $0x11  }
0xbf: {  	s0 =	sor.u32 s1, s0  }
0xc0: {  	s0 =	sadd.s32 $0x8F2B, s0  }
0xc1: {  	[sflag:s0] =	ssyncadd.remote.s32 $0x1  }
0xc2: {  	_ =	sfence.sel $0xFFFF  }
0xc3: {  	[dreg:$0x0] =	wrdreg $0xFFFFFFFF;
	(pc) =	sbr.abs _section_cstart, $3  }
0xc4: {  	[dreg:$0x1] =	wrdreg $0xFFFFFFFF  }
0xc5: {  	_ =	task.clear_ibuf [dreg:s9], $0x2FFFF;
	_ =	strace $0x9FFFFFFF  }
0xc6: {  	(tm) =	ssettm $0x7FFFFFFF  }
0xc7: {  	_ =	shalt  }
tec
execute0_lowered:
.L_overlay_start_1:
0x0: {  	(tag) =	ssettag $0x1  }
0x1: {  	v0 =	vimm.s32 $0xEFCDAB89;
	v1 =	vimm.s32 $0x67452301;
	v2 =	vimm.s32 $0xDCFE98BA  }
0x2: {  	v3 =	vimm.s32 $0x54761032;
	v4 =	vimm.s32 $0xBA98FEDC;
	v5 =	vimm.s32 $0x32107654  }
0x3: {  	s1 =	rddreg [dreg:$0x0];
	v6 =	vimm.s32 $0xFEDCBA98;
	v7 =	vimm.s32 $0x76543210;
	vm0 =	vmmov $0x1  }
0x4: {  	s3 =	rddreg [dreg:$0x1];
	vm1 =	vcmask $0x30C;
	vm2 =	vcmask $0xF0C;
	vm3 =	vcmask $0x714  }
0x5: {  	s0 =	rddreg [dreg:$0x2];
	vm4 =	vcmask $0xF18;
	vm5 =	vcmask $0x131C;
	vm6 =	vcmask $0x1F1C  }
0x6: {  	s9 =	rddreg [dreg:$0x3];
	vm7 =	vcmask $0x1724;
	vm8 =	vcmask $0x1F28;
	vm9 =	vcmask $0x232C  }
0x7: {  	s2 =	simm.s32 $0x0;
	s5 =	srdreg.scid;
	s6 =	stileid.u32;
	vm10 =	vcmask $0x2F2C;
	vm11 =	vcmask $0x2734;
	vm12 =	vcmask $0x2F38  }
0x8: {  	s12 =	simm.s32 $0x200;
	s13 =	simm.s32 $0x80;
	s19 =	simm.s32 $0x280;
	vm13 =	vcmask $0x333C;
	vm14 =	vmmov $0x3fff;
	vm15 =	vmmov $0x7fff  }
0x9: {  	s23 =	simm.s32 $0x100;
	s25 =	simm.s32 $0x300;
	s28 =	simm.s32 $0x10500;
	v0 =	vunpack.c.l.s4.s8 v0;
	v1 =	vunpack.c.l.s4.s8 v1;
	v2 =	vunpack.c.l.s4.s8 v2  }
0xa: {  	s29 =	simm.s32 $0x10700;
	s30 =	simm.s32 $0x180;
	s31 =	simm.s32 $0x6400;
	v3 =	vunpack.c.l.s4.s8 v3;
	v4 =	vunpack.c.l.s4.s8 v4;
	v5 =	vunpack.c.l.s4.s8 v5  }
0xb: {  	s14 =	simm.s32 $0x10580;
	s15 =	simm.s32 $0x10780;
	s16 =	simm.s32 $0x1;
	v6 =	vunpack.c.l.s4.s8 v6;
	v7 =	vunpack.c.l.s4.s8 v7;
	vm2 =	vmor vm3, vm2  }
0xc: {  	s17 =	simm.s32 $0x10800;
	s18 =	simm.s32 $0x0;
	[smem:$0x7FF] =	sst s2;
	vm3 =	vcmask $0xB14;
	vm6 =	vmor vm7, vm6;
	v0 =	vunpack.c.0.s8.s32 v0  }
0xd: {  	s4 =	sadd.s32 $0x1EA00, s0;
	s5 =	sand.u32 $0x1, s5;
	s6 =	sshll.u32 s6, $0x7;
	v1 =	vunpack.c.0.s8.s32 v1;
	v2 =	vunpack.c.0.s8.s32 v2;
	v3 =	vunpack.c.0.s8.s32 v3  }
0xe: {  	vm7 =	vcmask $0x1B24;
	_ =	strace $0x80000047;
	s7 =	ssub.s32 $0x2, s5;
	s8 =	sshll.u32 s5, $0x6;
	v4 =	vunpack.c.0.s8.s32 v4;
	v5 =	vunpack.c.0.s8.s32 v5  }
0xf: {  	s5 =	sadd.s32 $0x16E3600, s0;
	s10 =	sshrl.u32 s7, $0x1;
	s11 =	sor.u32 s8, s6;
	v0 =	vcombine.low v1, v0;
	v1 =	vcombine.low v3, v2;
	v2 =	vunpack.c.0.s8.s32 v6  }
0x10: {  	vm10 =	vmor vm11, vm10;
	s6 =	sadd.s32 $0xF42400, s0;
	s10 =	ssub.s32 s7, s10;
	s7 =	sadd.s32 s1, s11;
	v3 =	vcombine.low v5, v4;
	v4 =	vunpack.c.0.s8.s32 v7  }
0x11: {  	vm11 =	vcmask $0x2B34;
	s8 =	sadd.s32 s3, s11;
	s9 =	sadd.s32 s9, s11;
	s11 =	simm.s32 $0x2;
	v0 =	vand.u32 $0xF, v0;
	v5 =	vand.u32 $0xF, v2  }
0x12: {  	s1 =	simm.s32 $0x380;
	s3 =	simm.s32 $0xE400;
	s10 =	smax.u32 s10, $0x1;
	v1 =	vand.u32 $0xF, v1;
	v2 =	vand.u32 $0xF, v3;
	v3 =	vcombine.low v5, v4  }
.LBB2_1:
0x13: {  	[tilespmem:s2], [sflag:$0x2] =	stream.linear.gather [hbm4b:s7+s2], $0x200, $0x38;
	[tilespmem:$0x10A00] =	vst v63  }
0x14: {  	_ =	swait.ge [sflag:s11], $0x200  }
0x15: {  	[sflag:s11] =	ssyncset.done $0x0  }
0x16: {  	[sflag:s11] =	ssyncadd.s32 $0xFFFFFE00  }
0x17: {  	[tilespmem:s12], [sflag:$0x2] =	stream.linear.gather [hbm4b:s8+s2], $0x200, $0x38;
	[tilespmem:$0x10A00] =	vst v63  }
0x18: {  	_ =	swait.ge [sflag:s11], $0x200  }
0x19: {  	[sflag:s11] =	ssyncset.done $0x0  }
0x1a: {  	s20 =	simm.s32 $0x400;
	[sflag:s11] =	ssyncadd.s32 $0xFFFFFE00  }
0x1b: {  	[tilespmem:s20], [sflag:$0x1] =	stream.indirect.gather [hbm4b:s5+s13], $0x40, s2, s13, $0xb8;
	[tilespmem:$0x10A00] =	vst v63  }
0x1c: {  	s26 =	simm.s32 $0x8400  }
0x1d: {  	[tilespmem:s26], [sflag:$0x1] =	stream.indirect.gather [hbm4b:s6+s13], $0x40, s12, s13, $0xb8;
	[tilespmem:$0x10A00] =	vst v63  }
0x1e: {  	s21 =	simm.s32 $0x10400  }
0x1f: {  	[tilespmem:s21], [sflag:$0x1] =	stream.indirect.gather [hbm4b:s4+s13], $0x1, s2, s13, $0xb8;
	[tilespmem:$0x10A00] =	vst v63  }
0x20: {  	s22 =	simm.s32 $0x10600  }
0x21: {  	[tilespmem:s22], [sflag:$0x1] =	stream.indirect.gather [hbm4b:s0+s13], $0x1, s12, s13, $0xb8;
	[tilespmem:$0x10A00] =	vst v63  }
0x22: {  	s24 =	simm.s32 $0x2400  }
0x23: {  	[tilespmem:s24], [sflag:$0x1] =	stream.indirect.gather [hbm4b:s5+s13], $0x40, s13, s13, $0xb8;
	[tilespmem:$0x10A00] =	vst v63  }
0x24: {  	s26 =	simm.s32 $0xA400  }
0x25: {  	[tilespmem:s26], [sflag:$0x1] =	stream.indirect.gather [hbm4b:s6+s13], $0x40, s19, s13, $0xb8;
	[tilespmem:$0x10A00] =	vst v63  }
0x26: {  	s21 =	simm.s32 $0x10480  }
0x27: {  	[tilespmem:s21], [sflag:$0x1] =	stream.indirect.gather [hbm4b:s4+s13], $0x1, s13, s13, $0xb8;
	[tilespmem:$0x10A00] =	vst v63  }
0x28: {  	s22 =	simm.s32 $0x10680  }
0x29: {  	[tilespmem:s22], [sflag:$0x1] =	stream.indirect.gather [hbm4b:s0+s13], $0x1, s19, s13, $0xb8;
	[tilespmem:$0x10A00] =	vst v63  }
0x2a: {  	s24 =	simm.s32 $0x4400  }
0x2b: {  	[tilespmem:s24], [sflag:$0x1] =	stream.indirect.gather [hbm4b:s5+s13], $0x40, s23, s13, $0xb8;
	[tilespmem:$0x10A00] =	vst v63  }
0x2c: {  	s26 =	simm.s32 $0xC400  }
0x2d: {  	[tilespmem:s26], [sflag:$0x1] =	stream.indirect.gather [hbm4b:s6+s13], $0x40, s25, s13, $0xb8;
	[tilespmem:$0x10A00] =	vst v63  }
0x2e: {  	_ = 	snop  }
0x2f: {  	[tilespmem:s28], [sflag:$0x1] =	stream.indirect.gather [hbm4b:s4+s13], $0x1, s23, s13, $0xb8;
	[tilespmem:$0x10A00] =	vst v63  }
0x30: {  	_ = 	snop  }
0x31: {  	[tilespmem:s29], [sflag:$0x1] =	stream.indirect.gather [hbm4b:s0+s13], $0x1, s25, s13, $0xb8;
	[tilespmem:$0x10A00] =	vst v63  }
0x32: {  	_ = 	snop  }
0x33: {  	[tilespmem:s31], [sflag:$0x1] =	stream.indirect.gather [hbm4b:s5+s13], $0x40, s30, s13, $0xb8;
	[tilespmem:$0x10A00] =	vst v63  }
0x34: {  	_ = 	snop  }
0x35: {  	[tilespmem:s3], [sflag:$0x1] =	stream.indirect.gather [hbm4b:s6+s13], $0x40, s1, s13, $0xb8;
	[tilespmem:$0x10A00] =	vst v63  }
0x36: {  	_ = 	snop  }
0x37: {  	[tilespmem:s14], [sflag:$0x1] =	stream.indirect.gather [hbm4b:s4+s13], $0x1, s30, s13, $0xb8;
	[tilespmem:$0x10A00] =	vst v63  }
0x38: {  	_ = 	snop  }
0x39: {  	[tilespmem:s15], [sflag:$0x1] =	stream.indirect.gather [hbm4b:s0+s13], $0x1, s1, s13, $0xb8;
	[tilespmem:$0x10A00] =	vst v63  }
0x3a: {  	_ =	swait.ge [sflag:s16], $0x2000  }
0x3b: {  	[sflag:s16] =	ssyncset.done $0x0  }
0x3c: {  	[sflag:s16] =	ssyncadd.s32 $0xFFFFE000  }
0x3d: {  	_ =	swait.ge [sflag:s16], $0x2000  }
0x3e: {  	[sflag:s16] =	ssyncset.done $0x0  }
0x3f: {  	[sflag:s16] =	ssyncadd.s32 $0xFFFFE000  }
0x40: {  	_ =	swait.ge [sflag:s16], $0x80  }
0x41: {  	[sflag:s16] =	ssyncset.done $0x0  }
0x42: {  	[sflag:s16] =	ssyncadd.s32 $0xFFFFFF80  }
0x43: {  	_ =	swait.ge [sflag:s16], $0x80  }
0x44: {  	[sflag:s16] =	ssyncset.done $0x0  }
0x45: {  	[sflag:s16] =	ssyncadd.s32 $0xFFFFFF80  }
0x46: {  	_ =	swait.ge [sflag:s16], $0x2000  }
0x47: {  	[sflag:s16] =	ssyncset.done $0x0  }
0x48: {  	[sflag:s16] =	ssyncadd.s32 $0xFFFFE000  }
0x49: {  	_ =	swait.ge [sflag:s16], $0x2000  }
0x4a: {  	[sflag:s16] =	ssyncset.done $0x0  }
0x4b: {  	[sflag:s16] =	ssyncadd.s32 $0xFFFFE000  }
0x4c: {  	_ =	swait.ge [sflag:s16], $0x80  }
0x4d: {  	[sflag:s16] =	ssyncset.done $0x0  }
0x4e: {  	[sflag:s16] =	ssyncadd.s32 $0xFFFFFF80  }
0x4f: {  	_ =	swait.ge [sflag:s16], $0x80  }
0x50: {  	[sflag:s16] =	ssyncset.done $0x0  }
0x51: {  	[sflag:s16] =	ssyncadd.s32 $0xFFFFFF80  }
0x52: {  	_ =	swait.ge [sflag:s16], $0x2000  }
0x53: {  	[sflag:s16] =	ssyncset.done $0x0  }
0x54: {  	[sflag:s16] =	ssyncadd.s32 $0xFFFFE000  }
0x55: {  	_ =	swait.ge [sflag:s16], $0x2000  }
0x56: {  	[sflag:s16] =	ssyncset.done $0x0  }
0x57: {  	[sflag:s16] =	ssyncadd.s32 $0xFFFFE000  }
0x58: {  	_ =	swait.ge [sflag:s16], $0x80  }
0x59: {  	[sflag:s16] =	ssyncset.done $0x0  }
0x5a: {  	[sflag:s16] =	ssyncadd.s32 $0xFFFFFF80  }
0x5b: {  	_ =	swait.ge [sflag:s16], $0x80  }
0x5c: {  	[sflag:s16] =	ssyncset.done $0x0  }
0x5d: {  	[sflag:s16] =	ssyncadd.s32 $0xFFFFFF80  }
0x5e: {  	_ =	swait.ge [sflag:s16], $0x2000  }
0x5f: {  	[sflag:s16] =	ssyncset.done $0x0  }
0x60: {  	[sflag:s16] =	ssyncadd.s32 $0xFFFFE000  }
0x61: {  	_ =	swait.ge [sflag:s16], $0x2000  }
0x62: {  	[sflag:s16] =	ssyncset.done $0x0  }
0x63: {  	[sflag:s16] =	ssyncadd.s32 $0xFFFFE000  }
0x64: {  	_ =	swait.ge [sflag:s16], $0x80  }
0x65: {  	[sflag:s16] =	ssyncset.done $0x0  }
0x66: {  	[sflag:s16] =	ssyncadd.s32 $0xFFFFFF80  }
0x67: {  	_ =	swait.ge [sflag:s16], $0x80  }
0x68: {  	[sflag:s16] =	ssyncset.done $0x0  }
0x69: {  	s20 =	simm.s32 $0x8600;
	[sflag:s16] =	ssyncadd.s32 $0xFFFFFF80  }
0x6a: {  	v6 =	vld [tilespmem:s20+$0x1D0]  }
0x6b: {  	s21 =	simm.s32 $0x600;
	v8 =	vld [tilespmem:s20+$0x170]  }
0x6c: {  	v9 =	vld [tilespmem:s21+$0x170]  }
0x6d: {  	v10 =	vld [tilespmem:s20+$0xD0]  }
0x6e: {  	v11 =	vld [tilespmem:s20+$0xC0]  }
0x6f: {  	v4 =	vld [tilespmem:s20+$0x1B0]  }
0x70: {  	v5 =	vld [tilespmem:s21+$0x1A0]  }
0x71: {  	v27 =	vld [tilespmem:s20+$0x1A0]  }
0x72: {  	v12 =	vld [tilespmem:s20+$0x130]  }
0x73: {  	v13 =	vld [tilespmem:s21+$0x130]  }
0x74: {  	v28 =	vld [tilespmem:s21+$0x1B0]  }
0x75: {  	v29 =	vld [tilespmem:s20+$0x190]  }
0x76: {  	v30 =	vld [tilespmem:s21+$0x190]  }
0x77: {  	v31 =	vld [tilespmem:s20+$0x180]  }
0x78: {  	v32 =	vld [tilespmem:s21+$0x180]  }
0x79: {  	v7 =	vld [tilespmem:s20+$0x150]  }
0x7a: {  	v20 =	vld [tilespmem:s21+$0xFFFFFFF0]  }
0x7b: {  	v25 =	vld [tilespmem:s20+$0x60]  }
0x7c: {  	v21 =	vld [tilespmem:s20+$0xFFFFFFF0]  }
0x7d: {  	v26 =	vld [tilespmem:s21+$0x60]  }
0x7e: {  	v18 =	vld [tilespmem:s20+$0x50]  }
0x7f: {  	v15 =	vld [tilespmem:s20+$0xFFFFFFB0]  }
0x80: {  	v33 =	vld [tilespmem:s20+$0x30]  }
0x81: {  	v34 =	vld [tilespmem:s21+$0x30]  }
0x82: {  	v35 =	vld [tilespmem:s20+$0x20]  }
0x83: {  	v22 =	vld [tilespmem:s21+$0x50]  }
0x84: {  	v14 =	vld [tilespmem:s20+$0x40]  }
0x85: {  	v36 =	vld [tilespmem:s21+$0x20]  }
0x86: {  	v37 =	vld [tilespmem:s20+$0x10]  }
0x87: {  	v38 =	vld [tilespmem:s21+$0x10]  }
0x88: {  	v39 =	vld [tilespmem:s20+$0x0]  }
0x89: {  	v40 =	vld [tilespmem:s21+$0x0]  }
0x8a: {  	v16 =	vld [tilespmem:s20+$0xFFFFFFE0]  }
0x8b: {  	v17 =	vld [tilespmem:s20+$0xFFFFFFA0]  }
0x8c: {  	v41 =	vld [tilespmem:s20+$0xFFFFFFD0]  }
0x8d: {  	v42 =	vld [tilespmem:s21+$0xFFFFFFD0]  }
0x8e: {  	v19 =	vld [tilespmem:s20+$0xFFFFFF70]  }
0x8f: {  	v43 =	vld [tilespmem:s20+$0xFFFFFE00]  }
0x90: {  	v44 =	vld [tilespmem:s20+$0xFFFFFF90]  }
0x91: {  	v45 =	vld [tilespmem:s21+$0xFFFFFF90]  }
0x92: {  	v24 =	vld [tilespmem:s20+$0xFFFFFF80]  }
0x93: {  	v46 =	vld [tilespmem:s20+$0xFFFFFF50]  }
0x94: {  	v47 =	vld [tilespmem:s21+$0xFFFFFF50]  }
0x95: {  	v48 =	vld [tilespmem:s20+$0xFFFFFF30]  }
0x96: {  	v49 =	vld [tilespmem:s21+$0xFFFFFF30]  }
0x97: {  	v50 =	vld [tilespmem:s20+$0xFFFFFF20]  }
0x98: {  	v51 =	vld [tilespmem:s21+$0xFFFFFF20]  }
0x99: {  	v52 =	vld [tilespmem:s20+$0xFFFFFF10]  }
0x9a: {  	v53 =	vld [tilespmem:s21+$0xFFFFFF10]  }
0x9b: {  	v54 =	vld [tilespmem:s20+$0xFFFFFF00]  }
0x9c: {  	v55 =	vld [tilespmem:s21+$0xFFFFFF00]  }
0x9d: {  	v56 =	vld [tilespmem:s20+$0xFFFFFE70]  }
0x9e: {  	v57 =	vld [tilespmem:s20+$0xFFFFFEF0]  }
0x9f: {  	v58 =	vld [tilespmem:s21+$0xFFFFFEF0]  }
0xa0: {  	v62 =	vmul.f32 v31, v32;
	v31 =	vld [tilespmem:s20+$0xFFFFFEE0]  }
0xa1: {  	v32 =	vld [tilespmem:s21+$0xFFFFFEE0]  }
0xa2: {  	v5 =	vmul.f32 v27, v5;
	v27 =	vld [tilespmem:s20+$0xFFFFFED0]  }
0xa3: {  	v63 =	vmul.f32 v37, v38;
	v38 =	vld [tilespmem:s21+$0xFFFFFED0]  }
0xa4: {  	v60 =	vmul.f32 v35, v36;
	v35 =	vld [tilespmem:s20+$0xFFFFFEB0]  }
0xa5: {  	v59 =	vmul.f32 v39, v40;
	v39 =	vld [tilespmem:s21+$0xFFFFFEB0]  }
0xa6: {  	v29 =	vmul.f32 v29, v30;
	v40 =	vld [tilespmem:s21+$0xFFFFFEA0]  }
0xa7: {  	v36 =	vld [tilespmem:s20+$0xFFFFFE60]  }
0xa8: {  	v37 =	vld [tilespmem:s20+$0xFFFFFE40];
	v29 =	vadd.f32 v29, v62  }
0xa9: {  	v4 =	vmul.f32 v4, v28;
	v61 =	vmul.f32 v52, v53;
	v30 =	vadd.f32 v63, v59;
	v63 =	vld [tilespmem:s21+$0xFFFFFEC0]  }
0xaa: {  	v52 =	vmul.f32 v50, v51;
	v62 =	vmul.f32 v54, v55;
	v5 =	vadd.f32 v5, v29;
	v29 =	vld [tilespmem:s20+$0xFFFFFEC0]  }
0xab: {  	v25 =	vmul.f32 v25, v26;
	v20 =	vmul.f32 v21, v20;
	v28 =	vadd.f32 v60, v30;
	v60 =	vld [tilespmem:s20+$0xFFFFFE90]  }
0xac: {  	v18 =	vmul.f32 v18, v22;
	v53 =	vadd.f32 v61, v62;
	v61 =	vld [tilespmem:s21+$0xFFFFFE90];
	v31 =	vmul.f32 v31, v32  }
0xad: {  	v32 =	vmul.f32 v41, v42;
	v42 =	vmul.f32 v44, v45;
	v45 =	vld [tilespmem:s20+$0xFFFFFE50];
	v4 =	vadd.f32 v4, v5  }
0xae: {  	v55 =	vmul.f32 v48, v49;
	v5 =	vmul.f32 v33, v34;
	v30 =	vadd.f32 v52, v53;
	v52 =	vld [tilespmem:s20+$0xFFFFFE80]  }
0xaf: {  	v27 =	vmul.f32 v27, v38;
	v53 =	vld [tilespmem:s21+$0xFFFFFE80];
	v54 =	vperm.xlane v4, v0  }
0xb0: {  	v38 =	vld [tilespmem:s21+$0xFFFFFE50];
	v35 =	vmul.f32 v35, v39;
	v5 =	vadd.f32 v5, v28;
	v28 =	vadd.f32 v55, v30  }
0xb1: {  	v34 =	vld [tilespmem:s20+$0xFFFFFEA0];
	v55 =	vmul.f32 v57, v58;
	v29 =	vmul.f32 v29, v63;
	v4 =	vadd.f32 v4, v54  }
0xb2: {  	v50 =	vld [tilespmem:s21+$0xFFFFFF40];
	v59 =	vperm.xlane v5, v0;
	v63 =	vperm.xlane v28, v0  }
0xb3: {  	v30 =	vmul.f32 v60, v61;
	v61 =	vld [tilespmem:s20+$0xFFFFFE10];
	v27 =	vadd.f32 v27, v29;
	v62 =	vperm.xlane v4, v1  }
0xb4: {  	v29 =	vmul.f32 v52, v53;
	v52 =	vld [tilespmem:s21+$0xFFFFFE00];
	v5 =	vadd.f32 v5, v59;
	v28 =	vadd.f32 v28, v63  }
0xb5: {  	v38 =	vmul.f32 v45, v38;
	v53 =	vld [tilespmem:s21+$0xFFFFFE40];
	v27 =	vadd.f32 v31, v27;
	v4 =	vadd.f32 v4, v62  }
0xb6: {  	v34 =	vmul.f32 v34, v40;
	v63 =	vld [tilespmem:s21+$0xFFFFFE10];
	v29 =	vadd.f32 v30, v29;
	v54 =	vperm.xlane v5, v1  }
0xb7: {  	v31 =	vld [tilespmem:s20+$0xFFFFFE20];
	v57 =	vperm.xlane v28, v1;
	v27 =	vadd.f32 v55, v27;
	v58 =	vperm.xlane v4, v2  }
0xb8: {  	v29 =	vadd.f32 v34, v29;
	v34 =	vmul.f32 v46, v47;
	v55 =	vld [tilespmem:s21+$0xFFFFFE20];
	v5 =	vadd.f32 v5, v54  }
0xb9: {  	v46 =	vld [tilespmem:s21+$0xFFFFFFE0];
	v28 =	vadd.f32 v28, v57;
	v60 =	vperm.xlane v27, v0;
	v4 =	vadd.f32 v4, v58  }
0xba: {  	v49 =	vld [tilespmem:s20+$0xFFFFFF40];
	v37 =	vmul.f32 v37, v53;
	v29 =	vadd.f32 v35, v29;
	v59 =	vperm.xlane v5, v2  }
0xbb: {  	v33 =	vld [tilespmem:s20+$0xFFFFFE30];
	v62 =	vperm.xlane v28, v2;
	v27 =	vadd.f32 v27, v60;
	v51 =	vperm.xlane v4, v3  }
0xbc: {  	v58 =	vld [tilespmem:s21+$0xFFFFFE60];
	v5 =	vadd.f32 v5, v59;
	v59 =	vmul.f32 v61, v63;
	v61 =	vmul.f32 v43, v52  }
0xbd: {  	v60 =	vld [tilespmem:s21+$0xFFFFFE30];
	v28 =	vadd.f32 v28, v62;
	v63 =	vperm.xlane v29, v0;
	v31 =	vmul.f32 v31, v55  }
0xbe: {  	v37 =	vadd.f32 v38, v37;
	v62 =	vld [tilespmem:s21+$0xFFFFFE70];
	v16 =	vmul.f32 v16, v46;
	v54 =	vperm.xlane v27, v1  }
0xbf: {  	v57 =	vperm.xlane v5, v3;
	v47 =	vperm.xlane v28, v3;
	v4 =	vadd.f32 v4, v51;
	v51 =	vld [tilespmem:s21+$0xFFFFFF80]  }
0xc0: {  	v30 =	vadd.f32 v59, v61;
	v29 =	vadd.f32 v29, v63;
	v61 =	vmul.f32 v49, v50;
	v63 =	vld [tilespmem:s21+$0xFFFFFFA0]  }
0xc1: {  	v23 =	vld [tilespmem:s20+$0xFFFFFF60];
	v27 =	vadd.f32 v27, v54;
	v35 =	vmul.f32 v36, v58;
	v5 =	vadd.f32 v5, v57  }
0xc2: {  	v54 =	vld [tilespmem:s21+$0xFFFFFF60];
	v30 =	vadd.f32 v31, v30;
	v52 =	vmul.f32 v33, v60;
	v53 =	vperm.xlane v29, v1  }
0xc3: {  	v43 =	vld [tilespmem:s20+$0x80];
	v28 =	vadd.f32 v28, v47;
	v55 =	vadd.f32 v35, v37;
	v57 =	vmul.f32 v56, v62  }
0xc4: {  	v60 =	vld [tilespmem:s21+$0xFFFFFF70];
	v48 =	vperm.xlane v27, v2;
	v30 =	vadd.f32 v52, v30;
	v29 =	vadd.f32 v29, v53  }
0xc5: {  	v47 =	vld [tilespmem:s21+$0x40];
	v21 =	vadd.f32 v57, v55;
	v24 =	vmul.f32 v24, v51;
	v17 =	vmul.f32 v17, v63  }
0xc6: {  	v46 =	vld [tilespmem:s20+$0xE0];
	v27 =	vadd.f32 v27, v48;
	v22 =	vperm.xlane v30, v0;
	v44 =	vperm.xlane v29, v2  }
0xc7: {  	v58 =	vld [tilespmem:s21+$0xFFFFFFC0];
	v26 =	vadd.f32 v34, v61;
	v23 =	vmul.f32 v23, v54;
	v45 =	vperm.xlane v21, v0  }
0xc8: {  	v62 =	vld [tilespmem:s20+$0xFFFFFFC0];
	v59 =	vperm.xlane v27, v3;
	v24 =	vadd.f32 v42, v24;
	v22 =	vadd.f32 v30, v22  }
0xc9: {  	v48 =	vld [tilespmem:s21+$0xFFFFFFB0];
	v19 =	vmul.f32 v19, v60;
	v23 =	vadd.f32 v23, v26;
	v21 =	vadd.f32 v21, v45  }
0xca: {  	v50 =	vld [tilespmem:s20+$0xB0];
	v14 =	vmul.f32 v14, v47;
	v29 =	vadd.f32 v29, v44;
	v49 =	vperm.xlane v22, v1  }
0xcb: {  	s24 =	simm.s32 $0x0;
	v53 =	vld [tilespmem:s21+$0xB0];
	v27 =	vadd.f32 v27, v59;
	v19 =	vadd.f32 v19, v23;
	v52 =	vperm.xlane v21, v1  }
0xcc: {  	v61 =	vld [tilespmem:s24+$0x10400];
	v42 =	vmul.f32 v12, v13;
	v17 =	vadd.f32 v17, v24;
	v22 =	vadd.f32 v22, v49  }
0xcd: {  	v55 =	vld [tilespmem:s20+$0xF0];
	v23 =	vmul.f32 v62, v58;
	v56 =	vperm.xlane v19, v0;
	v21 =	vadd.f32 v21, v52  }
0xce: {  	v63 =	vld [tilespmem:s20+$0x70];
	v14 =	vadd.f32 v18, v14;
	v15 =	vmul.f32 v15, v48;
	v57 =	vperm.xlane v22, v2  }
0xcf: {  	v13 =	vld [tilespmem:s21+$0x90];
	v23 =	vadd.f32 v32, v23;
	v19 =	vadd.f32 v19, v56;
	v60 =	vperm.xlane v21, v2  }
0xd0: {  	v59 =	vld [tilespmem:s24+$0x10600];
	v31 =	vmul.f32 v50, v53;
	v15 =	vadd.f32 v15, v17;
	v22 =	vadd.f32 v22, v57  }
0xd1: {  	v45 =	vld [tilespmem:s21+$0xC0];
	v16 =	vadd.f32 v16, v23;
	v23 =	vperm.xlane v19, v1;
	v21 =	vadd.f32 v21, v60  }
0xd2: {  	v14 =	vadd.f32 v25, v14;
	v17 =	vld [tilespmem:s20+$0x90];
	v18 =	vperm.xlane v15, v0;
	v62 =	vperm.xlane v22, v3  }
0xd3: {  	v16 =	vadd.f32 v20, v16;
	v20 =	vld [tilespmem:s21+$0x70];
	v19 =	vadd.f32 v19, v23;
	v40 =	vperm.xlane v21, v3  }
0xd4: {  	v54 =	vld [tilespmem:s20+$0x100];
	v51 =	vperm.xlane v29, v3;
	v12 =	vadd.f32 v15, v18;
	v22 =	vadd.f32 v22, v62  }
0xd5: {  	v49 =	vld [tilespmem:s21+$0x150];
	v18 =	vperm.xlane v19, v2;
	v15 =	vadd.f32 v21, v40;
	v21 =	vadd.f32 v59, v61  }
0xd6: {  	v58 =	vld [tilespmem:s20+$0xA0];
	v29 =	vadd.f32 v29, v51;
	v11 =	vmul.f32 v11, v45;
	v41 =	vperm.xlane v16, v0  }
0xd7: {  	v13 =	vmul.f32 v17, v13;
	v18 =	vadd.f32 v19, v18;
	v19 =	vld [tilespmem:s21+$0xD0];
	v22 =	vadd.f32 v22, v21  }
0xd8: {  	v23 =	vld [tilespmem:s21+$0x80];
	v44 =	vperm.xlane v12, v1;
	v16 =	vadd.f32 v16, v41;
	v20 =	vmul.f32 v63, v20  }
0xd9: {  	v48 =	vld [tilespmem:s21+$0xA0];
	v15 =	vadd.f32 v15, v21;
	v21 =	vsel vm0, v22, v21;
	v22 =	vperm.xlane v18, v3  }
0xda: {  	v17 =	vld [tilespmem:s21+$0xE0];
	v7 =	vmul.f32 v7, v49;
	v12 =	vadd.f32 v12, v44;
	v14 =	vadd.f32 v20, v14  }
0xdb: {  	v15 =	vsel vm1, v21, v15;
	v21 =	vadd.f32 v29, v21;
	v18 =	vadd.f32 v18, v22;
	v22 =	vld [tilespmem:s21+$0xF0]  }
0xdc: {  	v47 =	vperm.xlane v12, v2;
	v27 =	vadd.f32 v27, v15;
	v10 =	vmul.f32 v10, v19;
	v19 =	vld [tilespmem:s21+$0x100]  }
0xdd: {  	v53 =	vld [tilespmem:s21+$0x110];
	v23 =	vmul.f32 v43, v23;
	v50 =	vperm.xlane v14, v0;
	v21 =	vsel vm2, v15, v21  }
0xde: {  	v51 =	vld [tilespmem:s21+$0x120];
	v52 =	vadd.f32 v12, v47;
	v20 =	vsel vm3, v21, v27;
	v21 =	vperm.xlane v16, v1  }
0xdf: {  	v56 =	vld [tilespmem:s20+$0x140];
	v17 =	vmul.f32 v46, v17;
	v13 =	vadd.f32 v13, v23;
	v14 =	vadd.f32 v14, v50  }
0xe0: {  	v23 =	vmul.f32 v58, v48;
	v10 =	vadd.f32 v10, v11;
	v11 =	vld [tilespmem:s20+$0x120];
	v16 =	vadd.f32 v16, v21  }
0xe1: {  	v57 =	vld [tilespmem:s20+$0x160];
	v15 =	vadd.f32 v28, v15;
	v21 =	vmul.f32 v55, v22;
	v19 =	vmul.f32 v54, v19  }
0xe2: {  	v23 =	vadd.f32 v23, v13;
	v22 =	vld [tilespmem:s20+$0x110];
	v55 =	vperm.xlane v14, v1;
	v54 =	vperm.xlane v16, v2  }
0xe3: {  	v18 =	vadd.f32 v18, v20;
	v12 =	vsel vm4, v20, v15;
	v15 =	vadd.f32 v17, v10;
	v17 =	vld [tilespmem:s21+$0x140]  }
0xe4: {  	v61 =	vld [tilespmem:s21+$0x1E0];
	v13 =	vperm.xlane v52, v3;
	v14 =	vadd.f32 v14, v55;
	v16 =	vadd.f32 v16, v54  }
0xe5: {  	v10 =	vmul.f32 v8, v9;
	v20 =	vmul.f32 v11, v51;
	v11 =	vadd.f32 v31, v23;
	v23 =	vld [tilespmem:s21+$0x160]  }
0xe6: {  	v58 =	vld [tilespmem:s20+$0x1E0];
	v9 =	vsel vm5, v12, v18;
	v8 =	vperm.xlane v14, v2;
	v59 =	vperm.xlane v16, v3  }
0xe7: {  	v15 =	vadd.f32 v21, v15;
	v60 =	vperm.xlane v11, v0;
	v18 =	vmul.f32 v22, v53;
	v22 =	vld [tilespmem:s21+$0x1D0]  }
0xe8: {  	v17 =	vmul.f32 v56, v17;
	v8 =	vadd.f32 v14, v8;
	v14 =	vadd.f32 v16, v59;
	v16 =	vld [tilespmem:s20+$0x1C0]  }
0xe9: {  	v13 =	vadd.f32 v52, v13;
	v21 =	vperm.xlane v15, v0;
	v18 =	vadd.f32 v18, v19;
	v19 =	vld [tilespmem:s21+$0x1C0]  }
0xea: {  	v11 =	vadd.f32 v11, v60;
	v7 =	vadd.f32 v7, v17;
	v23 =	vmul.f32 v57, v23  }
0xeb: {  	v15 =	vadd.f32 v15, v21;
	v21 =	vld [tilespmem:s21+$0x1F0];
	v62 =	vperm.xlane v8, v3;
	v63 =	vadd.f32 v20, v18  }
0xec: {  	v17 =	vperm.xlane v11, v1;
	v18 =	vld [tilespmem:s20+$0x1F0];
	v23 =	vadd.f32 v23, v7;
	v20 =	vmul.f32 v6, v22  }
0xed: {  	s22 =	simm.s32 $0x40;
	v8 =	vadd.f32 v8, v62;
	v6 =	vmul.f32 v58, v61;
	v22 =	vadd.f32 v42, v63  }
.LBB2_2:
0xee: {  	p0 =	sne.s32 s22, $0x7C0;
	v7 =	vadd.f32 v13, v12;
	v5 =	vadd.f32 v5, v9;
	v12 =	vmul.f32 v16, v19;
	s21 =	sadd.s32 $0x400, s21;
	s20 =	sadd.s32 $0x400, s20  }
0xef: {  	v13 =	vadd.f32 v14, v9;
	s26 =	smov.u32 s22;
	s22 =	sadd.s32 $0x40, s22;
	v14 =	vperm.xlane v22, v0;
	v10 =	vadd.f32 v10, v23  }
0xf0: {  	v7 =	vsel vm6, v9, v7;
	v9 =	vadd.f32 v20, v12  }
0xf1: {  	v12 =	vadd.f32 v22, v14;
	v14 =	vperm.xlane v10, v0;
	v16 =	vmul.f32 v18, v21  }
0xf2: {  	v11 =	vadd.f32 v11, v17;
	v6 =	vadd.f32 v6, v9  }
0xf3: {  	v9 =	vperm.xlane v15, v1;
	v17 =	vperm.xlane v12, v1;
	v10 =	vadd.f32 v10, v14  }
0xf4: {  	v14 =	vperm.xlane v11, v2;
	v6 =	vadd.f32 v16, v6  }
0xf5: {  	v9 =	vadd.f32 v15, v9;
	v12 =	vadd.f32 v12, v17;
	v15 =	vperm.xlane v10, v1  }
0xf6: {  	v11 =	vadd.f32 v11, v14;
	v14 =	vperm.xlane v6, v0  }
0xf7: {  	v16 =	vperm.xlane v9, v2;
	v17 =	vperm.xlane v12, v2;
	v10 =	vadd.f32 v10, v15  }
0xf8: {  	v15 =	vperm.xlane v11, v3;
	v6 =	vadd.f32 v6, v14  }
0xf9: {  	v9 =	vadd.f32 v9, v16;
	v12 =	vadd.f32 v12, v17;
	v14 =	vperm.xlane v10, v2  }
0xfa: {  	v7 =	vsel vm7, v7, v13;
	v11 =	vadd.f32 v11, v15;
	v13 =	vperm.xlane v6, v1  }
0xfb: {  	v15 =	vperm.xlane v9, v3;
	v16 =	vperm.xlane v12, v3;
	v10 =	vadd.f32 v10, v14  }
0xfc: {  	v5 =	vsel vm8, v7, v5;
	v7 =	vadd.f32 v8, v7;
	v6 =	vadd.f32 v6, v13  }
0xfd: {  	v8 =	vadd.f32 v9, v15;
	v9 =	vadd.f32 v12, v16;
	v12 =	vperm.xlane v10, v3  }
0xfe: {  	v7 =	vsel vm9, v5, v7;
	v5 =	vadd.f32 v11, v5;
	v11 =	vperm.xlane v6, v2  }
0xff: {  	v8 =	vadd.f32 v8, v7;
	v10 =	vadd.f32 v10, v12  }
0x100: {  	v5 =	vsel vm10, v7, v5;
	v7 =	vadd.f32 v9, v7;
	v6 =	vadd.f32 v6, v11  }
0x101: {  	v5 =	vsel vm11, v5, v8  }
0x102: {  	v7 =	vsel vm12, v5, v7;
	v5 =	vadd.f32 v10, v5;
	v8 =	vperm.xlane v6, v3  }
0x103: {  	v4 =	vadd.f32 v4, v7  }
0x104: {  	v6 =	vadd.f32 v6, v8  }
0x105: {  	v5 =	vsel vm13, v7, v5  }
0x106: {  	v4 =	vsel vm14, v5, v4;
	v5 =	vadd.f32 v6, v5;
	_ =	sdelay $0x1  }
0x107: {  	v4 =	vsel vm15, v4, v5  }
0x108: {  	[tilespmem:s24+$0x10800] =	vst v4  }
0x109: {  	v6 =	vld [tilespmem:s20+$0x1E0]  }
0x10a: {  	v7 =	vld [tilespmem:s21+$0x1E0]  }
0x10b: {  	v8 =	vld [tilespmem:s20+$0x1D0]  }
0x10c: {  	v9 =	vld [tilespmem:s20+$0x170]  }
0x10d: {  	v10 =	vld [tilespmem:s21+$0x170]  }
0x10e: {  	v12 =	vld [tilespmem:s20+$0xD0]  }
0x10f: {  	v13 =	vld [tilespmem:s20+$0xC0]  }
0x110: {  	v4 =	vld [tilespmem:s20+$0x1B0]  }
0x111: {  	v5 =	vld [tilespmem:s21+$0x1A0]  }
0x112: {  	v17 =	vld [tilespmem:s20+$0x1A0]  }
0x113: {  	v14 =	vld [tilespmem:s20+$0x130]  }
0x114: {  	v15 =	vld [tilespmem:s21+$0x130]  }
0x115: {  	v19 =	vld [tilespmem:s21+$0x1B0]  }
0x116: {  	v16 =	vld [tilespmem:s20+$0x190]  }
0x117: {  	v20 =	vld [tilespmem:s21+$0x190]  }
0x118: {  	v21 =	vld [tilespmem:s20+$0x180]  }
0x119: {  	v22 =	vld [tilespmem:s21+$0x180]  }
0x11a: {  	v11 =	vld [tilespmem:s20+$0x150]  }
0x11b: {  	v18 =	vld [tilespmem:s21+$0xFFFFFFF0]  }
0x11c: {  	v25 =	vld [tilespmem:s20+$0x60];
	v23 =	vmul.f32 v16, v20  }
0x11d: {  	v20 =	vld [tilespmem:s20+$0xFFFFFFF0]  }
0x11e: {  	v27 =	vld [tilespmem:s21+$0x60];
	v22 =	vmul.f32 v21, v22  }
0x11f: {  	v21 =	vld [tilespmem:s20+$0x50]  }
0x120: {  	v5 =	vmul.f32 v17, v5;
	v16 =	vld [tilespmem:s20+$0xFFFFFFB0];
	v22 =	vadd.f32 v23, v22  }
0x121: {  	v24 =	vld [tilespmem:s20+$0x30]  }
0x122: {  	v4 =	vmul.f32 v4, v19;
	v26 =	vld [tilespmem:s21+$0x30];
	v5 =	vadd.f32 v5, v22  }
0x123: {  	v29 =	vld [tilespmem:s20+$0x20]  }
0x124: {  	v23 =	vld [tilespmem:s21+$0x50];
	v4 =	vadd.f32 v4, v5  }
0x125: {  	v17 =	vld [tilespmem:s20+$0x40]  }
0x126: {  	v5 =	vld [tilespmem:s21+$0x20];
	v19 =	vperm.xlane v4, v0  }
0x127: {  	v28 =	vld [tilespmem:s20+$0x10];
	v30 =	vmul.f32 v24, v26  }
0x128: {  	v24 =	vld [tilespmem:s21+$0x10];
	v4 =	vadd.f32 v4, v19  }
0x129: {  	v31 =	vld [tilespmem:s20+$0x0]  }
0x12a: {  	v32 =	vld [tilespmem:s21+$0x0];
	v26 =	vperm.xlane v4, v1  }
0x12b: {  	v19 =	vld [tilespmem:s20+$0xFFFFFFE0]  }
0x12c: {  	v22 =	vld [tilespmem:s20+$0xFFFFFFA0];
	v4 =	vadd.f32 v4, v26  }
0x12d: {  	v34 =	vld [tilespmem:s20+$0xFFFFFFD0];
	v24 =	vmul.f32 v28, v24  }
0x12e: {  	v35 =	vld [tilespmem:s21+$0xFFFFFFD0];
	v33 =	vperm.xlane v4, v2  }
0x12f: {  	v26 =	vld [tilespmem:s20+$0xFFFFFF70];
	v31 =	vmul.f32 v31, v32  }
0x130: {  	v28 =	vld [tilespmem:s20+$0xFFFFFF60];
	v4 =	vadd.f32 v4, v33  }
0x131: {  	v5 =	vmul.f32 v29, v5;
	v33 =	vld [tilespmem:s20+$0xFFFFFE00];
	v31 =	vadd.f32 v24, v31  }
0x132: {  	v32 =	vld [tilespmem:s20+$0xFFFFFF90];
	v36 =	vperm.xlane v4, v3  }
0x133: {  	v37 =	vld [tilespmem:s21+$0xFFFFFF90];
	v24 =	vmul.f32 v34, v35;
	v5 =	vadd.f32 v5, v31  }
0x134: {  	v29 =	vld [tilespmem:s20+$0xFFFFFF80];
	v4 =	vadd.f32 v4, v36  }
0x135: {  	v34 =	vld [tilespmem:s20+$0xFFFFFF50];
	v5 =	vadd.f32 v30, v5  }
0x136: {  	v30 =	vld [tilespmem:s21+$0xFFFFFF50]  }
0x137: {  	v35 =	vld [tilespmem:s20+$0xFFFFFF30];
	v36 =	vperm.xlane v5, v0  }
0x138: {  	v38 =	vld [tilespmem:s21+$0xFFFFFF30];
	v31 =	vmul.f32 v32, v37  }
0x139: {  	v37 =	vld [tilespmem:s20+$0xFFFFFF20];
	v5 =	vadd.f32 v5, v36  }
0x13a: {  	v36 =	vld [tilespmem:s21+$0xFFFFFF20]  }
0x13b: {  	v39 =	vld [tilespmem:s20+$0xFFFFFF10];
	v32 =	vmul.f32 v34, v30;
	v30 =	vperm.xlane v5, v1  }
0x13c: {  	v34 =	vld [tilespmem:s21+$0xFFFFFF10]  }
0x13d: {  	v40 =	vld [tilespmem:s20+$0xFFFFFF00];
	v35 =	vmul.f32 v35, v38;
	v5 =	vadd.f32 v5, v30  }
0x13e: {  	v30 =	vld [tilespmem:s21+$0xFFFFFF00]  }
0x13f: {  	v38 =	vld [tilespmem:s20+$0xFFFFFE70];
	v36 =	vmul.f32 v37, v36;
	v37 =	vperm.xlane v5, v2  }
0x140: {  	v41 =	vld [tilespmem:s20+$0xFFFFFEF0]  }
0x141: {  	v42 =	vld [tilespmem:s21+$0xFFFFFEF0];
	v34 =	vmul.f32 v39, v34;
	v5 =	vadd.f32 v5, v37  }
0x142: {  	v37 =	vld [tilespmem:s20+$0xFFFFFEE0]  }
0x143: {  	v39 =	vld [tilespmem:s21+$0xFFFFFEE0];
	v30 =	vmul.f32 v40, v30;
	v40 =	vperm.xlane v5, v3  }
0x144: {  	v43 =	vld [tilespmem:s20+$0xFFFFFED0]  }
0x145: {  	v44 =	vld [tilespmem:s21+$0xFFFFFED0];
	v30 =	vadd.f32 v34, v30;
	v5 =	vadd.f32 v5, v40  }
0x146: {  	v34 =	vld [tilespmem:s20+$0xFFFFFEC0];
	v40 =	vmul.f32 v41, v42  }
0x147: {  	v41 =	vld [tilespmem:s21+$0xFFFFFEC0];
	v30 =	vadd.f32 v36, v30  }
0x148: {  	v36 =	vld [tilespmem:s20+$0xFFFFFE30];
	v37 =	vmul.f32 v37, v39  }
0x149: {  	v39 =	vld [tilespmem:s20+$0xFFFFFEB0];
	v30 =	vadd.f32 v35, v30  }
0x14a: {  	v35 =	vld [tilespmem:s21+$0xFFFFFEB0];
	v42 =	vmul.f32 v43, v44  }
0x14b: {  	v43 =	vld [tilespmem:s20+$0xFFFFFEA0];
	v44 =	vperm.xlane v30, v0  }
0x14c: {  	v45 =	vld [tilespmem:s21+$0xFFFFFEA0];
	v34 =	vmul.f32 v34, v41  }
0x14d: {  	v41 =	vld [tilespmem:s20+$0xFFFFFE90];
	v30 =	vadd.f32 v30, v44  }
0x14e: {  	v44 =	vld [tilespmem:s21+$0xFFFFFE90];
	v34 =	vadd.f32 v42, v34  }
0x14f: {  	v42 =	vld [tilespmem:s20+$0xFFFFFE80];
	v35 =	vmul.f32 v39, v35;
	v39 =	vperm.xlane v30, v1  }
0x150: {  	v46 =	vld [tilespmem:s21+$0xFFFFFE80];
	v34 =	vadd.f32 v37, v34  }
0x151: {  	v37 =	vld [tilespmem:s20+$0xFFFFFE60];
	v43 =	vmul.f32 v43, v45;
	v30 =	vadd.f32 v30, v39  }
0x152: {  	v39 =	vld [tilespmem:s20+$0xFFFFFE20];
	v34 =	vadd.f32 v40, v34  }
0x153: {  	v40 =	vld [tilespmem:s20+$0xFFFFFE50];
	v41 =	vmul.f32 v41, v44;
	v44 =	vperm.xlane v30, v2  }
0x154: {  	v45 =	vld [tilespmem:s21+$0xFFFFFE50];
	v47 =	vperm.xlane v34, v0  }
0x155: {  	v48 =	vld [tilespmem:s20+$0xFFFFFE40];
	v42 =	vmul.f32 v42, v46;
	v30 =	vadd.f32 v30, v44  }
0x156: {  	v44 =	vld [tilespmem:s20+$0xFFFFFE10];
	v34 =	vadd.f32 v34, v47  }
0x157: {  	v46 =	vld [tilespmem:s21+$0xFFFFFE10];
	v41 =	vadd.f32 v41, v42;
	v42 =	vperm.xlane v30, v3  }
0x158: {  	v47 =	vld [tilespmem:s21+$0xFFFFFE00];
	v49 =	vperm.xlane v34, v1  }
0x159: {  	v50 =	vld [tilespmem:s21+$0xFFFFFE40];
	v40 =	vmul.f32 v40, v45;
	v41 =	vadd.f32 v43, v41;
	v30 =	vadd.f32 v30, v42  }
0x15a: {  	v42 =	vld [tilespmem:s21+$0xFFFFFE20];
	v34 =	vadd.f32 v34, v49  }
0x15b: {  	v43 =	vld [tilespmem:s21+$0xFFFFFE60];
	v35 =	vadd.f32 v35, v41  }
0x15c: {  	v41 =	vmul.f32 v44, v46;
	v44 =	vld [tilespmem:s21+$0xFFFFFE30];
	v45 =	vperm.xlane v34, v2  }
0x15d: {  	v33 =	vmul.f32 v33, v47;
	v46 =	vld [tilespmem:s21+$0xFFFFFE70];
	v47 =	vperm.xlane v35, v0  }
0x15e: {  	v25 =	vmul.f32 v25, v27;
	v48 =	vmul.f32 v48, v50;
	v34 =	vadd.f32 v34, v45;
	v45 =	vld [tilespmem:s20+$0xFFFFFF40]  }
0x15f: {  	v27 =	vadd.f32 v41, v33;
	v33 =	vmul.f32 v39, v42;
	v35 =	vadd.f32 v35, v47;
	v39 =	vld [tilespmem:s21+$0xFFFFFF40]  }
0x160: {  	v40 =	vadd.f32 v40, v48;
	v37 =	vmul.f32 v37, v43;
	v41 =	vperm.xlane v34, v3;
	v42 =	vld [tilespmem:s21+$0xFFFFFF80]  }
0x161: {  	v27 =	vadd.f32 v33, v27;
	v33 =	vmul.f32 v36, v44;
	v36 =	vperm.xlane v35, v1;
	v43 =	vld [tilespmem:s21+$0xFFFFFF60]  }
0x162: {  	v37 =	vadd.f32 v37, v40;
	v38 =	vmul.f32 v38, v46;
	v34 =	vadd.f32 v34, v41;
	v40 =	vld [tilespmem:s21+$0xFFFFFFC0]  }
0x163: {  	v18 =	vmul.f32 v20, v18;
	v27 =	vadd.f32 v33, v27;
	v33 =	vadd.f32 v35, v36;
	v35 =	vld [tilespmem:s21+$0xFFFFFF70]  }
0x164: {  	v21 =	vmul.f32 v21, v23;
	v20 =	vadd.f32 v38, v37;
	v36 =	vmul.f32 v45, v39;
	v37 =	vld [tilespmem:s20+$0xFFFFFFC0]  }
0x165: {  	v23 =	vperm.xlane v27, v0;
	v38 =	vperm.xlane v33, v2;
	v39 =	vld [tilespmem:s21+$0xFFFFFFA0]  }
0x166: {  	v41 =	vperm.xlane v20, v0;
	v32 =	vadd.f32 v32, v36;
	v28 =	vmul.f32 v28, v43;
	v36 =	vld [tilespmem:s21+$0xFFFFFFE0]  }
0x167: {  	v29 =	vmul.f32 v29, v42;
	v23 =	vadd.f32 v27, v23;
	v27 =	vadd.f32 v33, v38;
	v33 =	vld [tilespmem:s21+$0x40]  }
0x168: {  	v20 =	vadd.f32 v20, v41;
	v28 =	vadd.f32 v28, v32;
	v26 =	vmul.f32 v26, v35;
	v32 =	vld [tilespmem:s21+$0xFFFFFFB0]  }
0x169: {  	v29 =	vadd.f32 v31, v29;
	v35 =	vperm.xlane v23, v1;
	v38 =	vperm.xlane v27, v3;
	v31 =	vld [tilespmem:s20+$0xB0]  }
0x16a: {  	v41 =	vperm.xlane v20, v1;
	v26 =	vadd.f32 v26, v28;
	v28 =	vmul.f32 v37, v40;
	v37 =	vld [tilespmem:s21+$0xB0]  }
0x16b: {  	v22 =	vmul.f32 v22, v39;
	v23 =	vadd.f32 v23, v35;
	v19 =	vmul.f32 v19, v36;
	v35 =	vld [tilespmem:s20+$0x100]  }
0x16c: {  	v20 =	vadd.f32 v20, v41;
	v36 =	vperm.xlane v26, v0;
	v24 =	vadd.f32 v24, v28;
	v28 =	vld [tilespmem:s20+$0xF0]  }
0x16d: {  	s24 =	sshra.s32 s26, $0x2;
	v27 =	vadd.f32 v27, v38;
	v39 =	vperm.xlane v23, v2;
	v16 =	vmul.f32 v16, v32;
	v32 =	vld [tilespmem:s20+$0xA0]  }
0x16e: {  	v22 =	vadd.f32 v22, v29;
	v38 =	vld [tilespmem:s24+$0x10600];
	v40 =	vperm.xlane v20, v2;
	v26 =	vadd.f32 v26, v36  }
0x16f: {  	v17 =	vmul.f32 v17, v33;
	v19 =	vadd.f32 v19, v24;
	v29 =	vld [tilespmem:s24+$0x10400];
	v23 =	vadd.f32 v23, v39  }
0x170: {  	v16 =	vadd.f32 v16, v22;
	v20 =	vadd.f32 v20, v40;
	v24 =	vperm.xlane v26, v1;
	v22 =	vld [tilespmem:s20+$0x90]  }
0x171: {  	v17 =	vadd.f32 v21, v17;
	v18 =	vadd.f32 v18, v19;
	v33 =	vperm.xlane v23, v3;
	v19 =	vld [tilespmem:s20+$0x70]  }
0x172: {  	v21 =	vperm.xlane v20, v3;
	v24 =	vadd.f32 v26, v24;
	v26 =	vperm.xlane v16, v0;
	v36 =	vld [tilespmem:s21+$0x70]  }
0x173: {  	v40 =	vmul.f32 v14, v15;
	v23 =	vadd.f32 v23, v33;
	v33 =	vperm.xlane v18, v0;
	v39 =	vld [tilespmem:s21+$0x80]  }
0x174: {  	v14 =	vadd.f32 v20, v21;
	v15 =	vperm.xlane v24, v2;
	v16 =	vadd.f32 v16, v26;
	v20 =	vld [tilespmem:s21+$0x90]  }
0x175: {  	v17 =	vadd.f32 v25, v17;
	v21 =	vadd.f32 v38, v29;
	v26 =	vmul.f32 v31, v37;
	v25 =	vld [tilespmem:s20+$0x80]  }
0x176: {  	v18 =	vadd.f32 v18, v33;
	v29 =	vperm.xlane v16, v1;
	v31 =	vld [tilespmem:s21+$0xC0]  }
0x177: {  	v23 =	vadd.f32 v23, v21;
	v15 =	vadd.f32 v24, v15;
	v19 =	vmul.f32 v19, v36;
	v24 =	vld [tilespmem:s21+$0xD0]  }
0x178: {  	v14 =	vadd.f32 v14, v21;
	v16 =	vadd.f32 v16, v29;
	v29 =	vld [tilespmem:s20+$0xE0]  }
0x179: {  	v21 =	vsel vm0, v23, v21;
	v23 =	vperm.xlane v15, v3;
	v20 =	vmul.f32 v22, v20;
	v22 =	vld [tilespmem:s21+$0xE0]  }
0x17a: {  	v14 =	vsel vm1, v21, v14;
	v21 =	vadd.f32 v27, v21;
	v27 =	vperm.xlane v16, v2;
	v33 =	vld [tilespmem:s21+$0xA0]  }
0x17b: {  	v34 =	vadd.f32 v34, v14;
	v15 =	vadd.f32 v15, v23;
	v13 =	vmul.f32 v13, v31;
	v23 =	vld [tilespmem:s21+$0xF0]  }
0x17c: {  	v17 =	vadd.f32 v19, v17;
	v21 =	vsel vm2, v14, v21;
	v12 =	vmul.f32 v12, v24;
	v19 =	vld [tilespmem:s21+$0x100]  }
0x17d: {  	v25 =	vmul.f32 v25, v39;
	v21 =	vsel vm3, v21, v34;
	v24 =	vperm.xlane v18, v1;
	v31 =	vld [tilespmem:s21+$0x150]  }
0x17e: {  	v34 =	vperm.xlane v17, v0;
	v15 =	vadd.f32 v15, v21;
	v13 =	vadd.f32 v12, v13;
	v36 =	vld [tilespmem:s20+$0x120]  }
0x17f: {  	v12 =	vadd.f32 v30, v14;
	v14 =	vadd.f32 v20, v25;
	v20 =	vmul.f32 v32, v33;
	v25 =	vld [tilespmem:s21+$0x120]  }
0x180: {  	v18 =	vadd.f32 v18, v24;
	v17 =	vadd.f32 v17, v34;
	v23 =	vmul.f32 v28, v23;
	v24 =	vld [tilespmem:s20+$0x110]  }
0x181: {  	v16 =	vadd.f32 v16, v27;
	v22 =	vmul.f32 v29, v22;
	v19 =	vmul.f32 v35, v19;
	v27 =	vld [tilespmem:s21+$0x110]  }
0x182: {  	v28 =	vperm.xlane v18, v2;
	v29 =	vperm.xlane v17, v1;
	v14 =	vadd.f32 v20, v14;
	v20 =	vld [tilespmem:s20+$0x140]  }
0x183: {  	v12 =	vsel vm4, v21, v12;
	v21 =	vperm.xlane v16, v3;
	v22 =	vadd.f32 v22, v13;
	v30 =	vld [tilespmem:s21+$0x140]  }
0x184: {  	v18 =	vadd.f32 v18, v28;
	v17 =	vadd.f32 v17, v29;
	v25 =	vmul.f32 v36, v25;
	v28 =	vld [tilespmem:s20+$0x160]  }
0x185: {  	v10 =	vmul.f32 v9, v10;
	v13 =	vadd.f32 v16, v21;
	v21 =	vadd.f32 v26, v14;
	v26 =	vld [tilespmem:s21+$0x160]  }
0x186: {  	v9 =	vsel vm5, v12, v15;
	v14 =	vperm.xlane v17, v2;
	v15 =	vmul.f32 v24, v27;
	v24 =	vld [tilespmem:s21+$0x1D0]  }
0x187: {  	v22 =	vadd.f32 v23, v22;
	v29 =	vperm.xlane v21, v0;
	v27 =	vperm.xlane v18, v3;
	v16 =	vld [tilespmem:s20+$0x1C0]  }
0x188: {  	v17 =	vadd.f32 v17, v14;
	v15 =	vadd.f32 v15, v19;
	v20 =	vmul.f32 v20, v30;
	v19 =	vld [tilespmem:s21+$0x1C0]  }
.Ltmp0:
0x189: {  	v23 =	vperm.xlane v22, v0;
	v14 =	vadd.f32 v18, v27;
	v18 =	vmul.f32 v11, v31;
	(pc) =	sbr.rel @p0 .LBB2_2-.Ltmp0, $4  }
0x18a: {  	v27 =	vperm.xlane v17, v3;
	v11 =	vadd.f32 v21, v29;
	v25 =	vadd.f32 v25, v15  }
0x18b: {  	v29 =	vadd.f32 v18, v20;
	v26 =	vmul.f32 v28, v26;
	v20 =	vmul.f32 v8, v24;
	v18 =	vld [tilespmem:s20+$0x1F0]  }
0x18c: {  	v15 =	vadd.f32 v22, v23;
	v8 =	vadd.f32 v17, v27;
	v17 =	vperm.xlane v11, v1;
	v21 =	vld [tilespmem:s21+$0x1F0]  }
0x18d: {  	v6 =	vmul.f32 v6, v7;
	v22 =	vadd.f32 v40, v25;
	v23 =	vadd.f32 v26, v29  }
0x18e: {  	v7 =	vmul.f32 v16, v19  }
0x18f: {  	v42 =	vadd.f32 v13, v12;
	v11 =	vadd.f32 v11, v17  }
0x190: {  	v5 =	vadd.f32 v5, v9;
	v7 =	vadd.f32 v20, v7  }
0x191: {  	v44 =	vperm.xlane v15, v1;
	v14 =	vadd.f32 v14, v9;
	v10 =	vadd.f32 v10, v23  }
0x192: {  	v41 =	vperm.xlane v22, v0;
	v18 =	vmul.f32 v18, v21;
	v6 =	vadd.f32 v6, v7  }
0x193: {  	v46 =	vperm.xlane v11, v2;
	v13 =	vadd.f32 v15, v44;
	v43 =	vperm.xlane v10, v0  }
0x194: {  	v16 =	vadd.f32 v22, v41;
	v6 =	vadd.f32 v18, v6  }
0x195: {  	v11 =	vadd.f32 v11, v46;
	v10 =	vadd.f32 v10, v43  }
0x196: {  	v7 =	vsel vm6, v9, v42;
	v45 =	vperm.xlane v16, v1;
	v48 =	vperm.xlane v6, v0  }
0x197: {  	v50 =	vperm.xlane v13, v2;
	v7 =	vsel vm7, v7, v14;
	v49 =	vperm.xlane v10, v1  }
0x198: {  	v53 =	vperm.xlane v11, v3;
	v47 =	vadd.f32 v16, v45;
	v6 =	vadd.f32 v6, v48  }
0x199: {  	v12 =	vadd.f32 v13, v50;
	v5 =	vsel vm8, v7, v5;
	v52 =	vadd.f32 v10, v49  }
0x19a: {  	v7 =	vadd.f32 v8, v7;
	v51 =	vperm.xlane v47, v2;
	v55 =	vperm.xlane v6, v1  }
0x19b: {  	v57 =	vperm.xlane v12, v3;
	v10 =	vadd.f32 v11, v53;
	v56 =	vperm.xlane v52, v2  }
0x19c: {  	v54 =	vadd.f32 v47, v51;
	v6 =	vadd.f32 v6, v55  }
0x19d: {  	v59 =	vadd.f32 v12, v57;
	v9 =	vadd.f32 v52, v56  }
0x19e: {  	v7 =	vsel vm9, v5, v7;
	v58 =	vperm.xlane v54, v3;
	v61 =	vperm.xlane v6, v2  }
0x19f: {  	v5 =	vadd.f32 v10, v5;
	v8 =	vadd.f32 v59, v7;
	v62 =	vperm.xlane v9, v3  }
0x1a0: {  	v60 =	vadd.f32 v54, v58;
	v6 =	vadd.f32 v6, v61  }
0x1a1: {  	v5 =	vsel vm10, v7, v5;
	v9 =	vadd.f32 v9, v62  }
0x1a2: {  	v5 =	vsel vm11, v5, v8;
	v7 =	vadd.f32 v60, v7;
	v63 =	vperm.xlane v6, v3  }
0x1a3: {  	v9 =	vadd.f32 v9, v5  }
0x1a4: {  	v5 =	vsel vm12, v5, v7;
	v6 =	vadd.f32 v6, v63  }
0x1a5: {  	v4 =	vadd.f32 v4, v5;
	v5 =	vsel vm13, v5, v9  }
0x1a6: {  	v6 =	vadd.f32 v6, v5  }
0x1a7: {  	s18 =	sadd.s32 $0x1, s18;
	v4 =	vsel vm14, v5, v4  }
0x1a8: {  	p0 =	sne.s32 s18, s10;
	v4 =	vsel vm15, v4, v6  }
.Ltmp1:
0x1a9: {  	[tilespmem:s24+$0x10800] =	vst v4;
	(pc) =	sbr.rel @p0 .LBB2_1-.Ltmp1, $4  }
0x1aa: {  	[hbm4b:s9+s2] =	stream.linear.scatter [tilespmem:s17], [sflag:$0x2], $0x200, $0x38;
	[tilespmem:$0x10A00] =	vst v63  }
0x1ab: {  	_ =	swait.ge [sflag:s11], $0x200  }
0x1ac: {  	[sflag:s11] =	ssyncset.done $0x0  }
0x1ad: {  	[sflag:s11] =	ssyncadd.s32 $0xFFFFFE00  }
0x1ae: {  	_ =	sfence.sel $0x180000  }
0x1af: {  	[bflag:$0x0] =	sbarrier.arrive $0xFFFF  }
0x1b0: {  	_ =	strace $0x90000047  }
0x1b1: {  	s0 =	stileid.u32;
	[bflag:$0x2] =	sbarrier.arrive $0xFFFF  }
0x1b2: {  	p0 =	sne.s32 s0, $0x0;
	s0 =	rddreg [dreg:$0x4]  }
0x1b3: {  	s0 =	sadd.s32 @!p0 $0x100000, s0  }
0x1b4: {  	[sflag:s0] =	ssyncadd.tile.s32 @!p0 $0x1;
	_ =	shalt  }
.Lfunc_end2:
_tile_overlayer_lowered:
.L_overlay_start_2:
0x1b5: {  	(tag) =	ssettag $0x2  }
0x1b6: {  	s0 =	rddreg [dreg:$0x0];
	s2 =	stileid.u32  }
0x1b7: {  	s1 =	rddreg [dreg:$0x1];
	p0 =	sne.s32 s2, $0x0  }
0x1b8: {  	s3 =	rddreg [dreg:$0x2];
	[bflag:$0x3] =	sbarrier.arrive $0xFFFF;
	s2 =	simm.s32 @!p0 $0x1C02  }
0x1b9: {  	[timem:s3], [sflag:s2] =	dma.local @!p0 [hbm:s0], s1  }
0x1ba: {  	s0 =	simm.s32 @!p0 $0x2  }
0x1bb: {  	_ =	swait.ge @!p0 [sflag:s0], s1  }
0x1bc: {  	s1 =	ssub.s32 @!p0 $0x0, s1;
	[sflag:s0] =	ssyncset.done @!p0 $0x0  }
0x1bd: {  	[sflag:s0] =	ssyncadd.s32 @!p0 s1  }
0x1be: {  	[bflag:$0x3] =	sbarrier.arrive $0xFFFF  }
0x1bf: {  	_ =	shalt  }

</sc_bundles>
